<compile_context>
chip_gen: v7x
topology: tpu7x:2x2x1
jax: 0.10.2.dev20260603
libtpu: 0.0.44.dev20260713+nightly
codegen_flags: <defaults>
</compile_context>

<pallas_src>
import functools

import jax
import jax.numpy as jnp
from jax import lax
from jax.experimental import pallas as pl
from jax.experimental.pallas import tpu as pltpu
from jax.experimental.pallas import tpu_sc as plsc

N_NODES = 10000
N_EDGES = 320000
D_FEAT = 128
D_EDGE = 16
D_GLOBAL = 16
D_OUT = D_EDGE + 2 * D_FEAT + D_GLOBAL
D_PAD = 384

_NC = 2
_NS = 16
_NW = _NC * _NS
_E_PER_W = N_EDGES // _NW
_B = 104
_CHUNKS = _E_PER_W // _B + 1
_PAIRS = (_CHUNKS + 1) // 2

_mesh = plsc.VectorSubcoreMesh(core_axis_name="c", subcore_axis_name="s")


@functools.partial(
    pl.kernel,
    out_type=jax.ShapeDtypeStruct((N_EDGES, D_PAD), jnp.float32),
    mesh=_mesh,
    scratch_types=[
        pltpu.VMEM((_E_PER_W,), jnp.int32),
        pltpu.VMEM((_E_PER_W,), jnp.int32),
        pltpu.VMEM((_B, D_PAD), jnp.float32),
        pltpu.VMEM((_B, D_PAD), jnp.float32),
        pltpu.VMEM((_B, D_EDGE), jnp.float32),
        pltpu.VMEM((_B, D_EDGE), jnp.float32),
        pltpu.VMEM((D_GLOBAL,), jnp.float32),
        pltpu.SemaphoreType.DMA,
        pltpu.SemaphoreType.DMA,
        pltpu.SemaphoreType.DMA,
        pltpu.SemaphoreType.DMA,
    ],
)
def _edge_block(edges_hbm, rot_hbm, global_hbm, recv_hbm, send_hbm, out_hbm,
                ridx, sidx, obuf0, obuf1, ebuf0, ebuf1, gtmp,
                semr, sems, semo0, semo1):
    wid = lax.axis_index("s") * _NC + lax.axis_index("c")

    pltpu.sync_copy(global_hbm, gtmp)
    gvec = gtmp[...]
    zvec = jnp.zeros_like(gvec)

    @pl.loop(0, _B)
    def _fill(i):
        for buf in (obuf0, obuf1):
            buf[i, pl.ds(D_EDGE + 2 * D_FEAT, D_GLOBAL)] = gvec
            for k in range((D_PAD - D_OUT) // 16):
                buf[i, pl.ds(D_OUT + 16 * k, 16)] = zvec

    wrows = pl.ds(wid * _E_PER_W, _E_PER_W)
    pltpu.sync_copy(recv_hbm.at[wrows], ridx)
    pltpu.sync_copy(send_hbm.at[wrows], sidx)

    def chunk_front(step, obuf, ebuf):
        base = wid * _E_PER_W + jnp.minimum(step * _B, _E_PER_W - _B)
        rows = pl.ds(base, _B)
        off = pl.ds(jnp.minimum(step * _B, _E_PER_W - _B), _B)
        ca = pltpu.async_copy(
            rot_hbm.at[ridx.at[off]], obuf.at[:, pl.ds(0, D_FEAT)], semr)
        cb = pltpu.async_copy(
            rot_hbm.at[sidx.at[off]], obuf.at[:, pl.ds(D_FEAT, D_FEAT)], sems)
        pltpu.sync_copy(edges_hbm.at[rows], ebuf)
        return rows, ca, cb

    def chunk_back(rows, ca, cb, obuf, ebuf, semo):
        ca.wait()
        cb.wait()

        @pl.loop(0, _B, unroll=4)
        def _assemble(i):
            obuf[i, pl.ds(2 * D_FEAT, 16)] = obuf[i, pl.ds(D_FEAT, 16)]
            obuf[i, pl.ds(D_FEAT, 16)] = obuf[i, pl.ds(0, 16)]
            obuf[i, pl.ds(0, D_EDGE)] = ebuf[i, :]

        return pltpu.async_copy(obuf, out_hbm.at[rows, :], semo)

    @pl.loop(0, _PAIRS)
    def _pair(g):
        r0, ca0, cb0 = chunk_front(2 * g, obuf0, ebuf0)
        w0 = chunk_back(r0, ca0, cb0, obuf0, ebuf0, semo0)
        r1, ca1, cb1 = chunk_front(2 * g + 1, obuf1, ebuf1)
        w0.wait()
        w1 = chunk_back(r1, ca1, cb1, obuf1, ebuf1, semo1)
        w1.wait()


def kernel(edges_data, nodes_data, global_data, receivers, senders):
    perm = jnp.equal(
        (jnp.arange(D_FEAT)[:, None] + D_EDGE) % D_FEAT,
        jnp.arange(D_FEAT)[None, :]).astype(jnp.float32)
    rot = jax.lax.dot(nodes_data, perm,
                      precision=jax.lax.Precision.HIGHEST)
    padded = _edge_block(
        edges_data,
        rot,
        global_data,
        receivers.astype(jnp.int32),
        senders.astype(jnp.int32),
    )
    return padded[:, :D_OUT]

# --- scband reference (transcript-rebuilt; emitter-appended) ---
"""Pipeline reference for scband-edge-block-69853348102604 (READ-ONLY COPY).

The authoritative reference and input builder live on the scoring server;
editing this copy changes nothing except your own understanding.
"""

import jax, jax.numpy as jnp
import numpy as np

N_NODES = 10000
N_EDGES = 320000
D_FEAT = 128
D_EDGE = 16
D_GLOBAL = 16

def setup_inputs(seed: int = 0) -> dict:
    key = jax.random.key(seed)
    k1, k2, k3, k4, k5 = jax.random.split(key, 5)
    edges_data = jax.random.normal(k1, (N_EDGES, D_EDGE), dtype=jnp.float32)
    nodes_data = jax.random.normal(k2, (N_NODES, D_FEAT), dtype=jnp.float32)
    global_data = jax.random.normal(k3, (D_GLOBAL,), dtype=jnp.float32)
    receivers = jax.random.randint(k4, (N_EDGES,), 0, N_NODES, dtype=jnp.int64 if jax.config.jax_enable_x64 else jnp.int32)
    senders = jax.random.randint(k5, (N_EDGES,), 0, N_NODES, dtype=jnp.int64 if jax.config.jax_enable_x64 else jnp.int32)
    return {"edges_data": edges_data, "nodes_data": nodes_data, "global_data": global_data, "receivers": receivers, "senders": senders}

def reference(edges_data, nodes_data, global_data, receivers, senders):
    # DEPENDENT mode, updater=None:
    # per edge e: cat([edges_data[e], nodes_data[receivers[e]], nodes_data[senders[e]], global_data])
    recv_feat = jnp.take(nodes_data, receivers, axis=0)
    send_feat = jnp.take(nodes_data, senders, axis=0)
    g = jnp.broadcast_to(global_data[None, :], (edges_data.shape[0], global_data.shape[0]))
    updater_input = jnp.concatenate([edges_data, recv_feat, send_feat, g], axis=1)
    return updater_input

if __name__ == "__main__":
    import jax
    _d = setup_inputs()
    print(jax.jit(kernel)(*tuple(_d.values())))

</pallas_src>

<mosaic_0001>
#map = affine_map<(d0, d1) -> (0, 0)>
#map1 = affine_map<(d0, d1) -> (0)>
module attributes {stable_mosaic.version = 14 : i64} {
  func.func @_edge_block(%arg0: i32, %arg1: i32, %arg2: memref<320000x16xf32, #tpu.memory_space<hbm>>, %arg3: memref<10000x128xf32, #tpu.memory_space<hbm>>, %arg4: memref<16xf32, #tpu.memory_space<hbm>>, %arg5: memref<320000xi32, #tpu.memory_space<hbm>>, %arg6: memref<320000xi32, #tpu.memory_space<hbm>>, %arg7: memref<320000x384xf32, #tpu.memory_space<hbm>>, %arg8: memref<10000xi32, #tpu.memory_space<vmem>>, %arg9: memref<10000xi32, #tpu.memory_space<vmem>>, %arg10: memref<104x384xf32, #tpu.memory_space<vmem>>, %arg11: memref<104x384xf32, #tpu.memory_space<vmem>>, %arg12: memref<104x16xf32, #tpu.memory_space<vmem>>, %arg13: memref<104x16xf32, #tpu.memory_space<vmem>>, %arg14: memref<16xf32, #tpu.memory_space<vmem>>, %arg15: memref<!tpu.dma_semaphore, #tpu.memory_space<semaphore_mem>>, %arg16: memref<!tpu.dma_semaphore, #tpu.memory_space<semaphore_mem>>, %arg17: memref<!tpu.dma_semaphore, #tpu.memory_space<semaphore_mem>>, %arg18: memref<!tpu.dma_semaphore, #tpu.memory_space<semaphore_mem>>) attributes {dimension_semantics = [#tpu.dimension_semantics<core_parallel>, #tpu.dimension_semantics<subcore_parallel>], iteration_bounds = array<i64: 2, 16>, scalar_prefetch = 0 : i64, scratch_operands = 11 : i64, tpu.core_type = #tpu.core_type<sc_vector_subcore>, window_params = [{transform_indices = #map}, {transform_indices = #map}, {transform_indices = #map1}, {transform_indices = #map1}, {transform_indices = #map1}, {transform_indices = #map}]} {
    %mul3A = arith.constant 2 : i32
    %mul3A_0 = arith.muli %arg1, %mul3A : i32
    %add3A = arith.addi %mul3A_0, %arg0 : i32
    "tpu.region"() ({
      %run_scoped3A = tpu.sem_alloc : memref<!tpu.dma_semaphore, #tpu.memory_space<semaphore_mem>>
      tpu.enqueue_dma source(%arg4 : memref<16xf32, #tpu.memory_space<hbm>>) target(%arg14 : memref<16xf32, #tpu.memory_space<vmem>>) target_semaphore(%run_scoped3A : memref<!tpu.dma_semaphore, #tpu.memory_space<semaphore_mem>>)
      tpu.wait_dma2 semaphore(%run_scoped3A : memref<!tpu.dma_semaphore, #tpu.memory_space<semaphore_mem>>) src(%arg4 : memref<16xf32, #tpu.memory_space<hbm>>) dst(%arg14 : memref<16xf32, #tpu.memory_space<vmem>>)
      tpu.yield
    }) : () -> ()
    %get3A = arith.constant 0 : index
    %get3A_1 = tpu.vector_load %arg14[%get3A] {strides = array<i32>} : memref<16xf32, #tpu.memory_space<vmem>>, vector<16xf32>,
    %get3A_2 = vector.shape_cast %get3A_1 : vector<16xf32> to vector<16xf32>
    %broadcast_in_dim3A = arith.constant 0.000000e+00 : f32
    %broadcast_in_dim3A_3 = vector.broadcast %broadcast_in_dim3A : f32 to vector<16xf32>
    %scan3A = arith.constant 0 : i32
    %scan3A_4 = arith.constant 104 : i32
    %scan3A_5 = arith.addi %scan3A, %scan3A_4 : i32
    %scan3A_6 = arith.constant 1 : i32
    scf.for %scan3A_15 = %scan3A to %scan3A_5 step %scan3A_6  : i32 {
      %mul3A_16 = arith.constant 1 : i32
      %mul3A_17 = arith.muli %scan3A_15, %mul3A_16 : i32
      %add3A_18 = arith.constant 0 : i32
      %add3A_19 = arith.addi %add3A_18, %mul3A_17 : i32
      %swap3A = arith.index_cast %add3A_19 : i32 to index
      %swap3A_20 = arith.constant 272 : index
      %swap3A_21 = tpu.vector_load %arg10[%swap3A, %swap3A_20] {strides = array<i32>} : memref<104x384xf32, #tpu.memory_space<vmem>>, vector<1x16xf32>,
      %swap3A_22 = vector.shape_cast %swap3A_21 : vector<1x16xf32> to vector<16xf32>
      %swap3A_23 = vector.shape_cast %get3A_2 : vector<16xf32> to vector<1x16xf32>
      tpu.vector_store %arg10[%swap3A, %swap3A_20], %swap3A_23 {strides = array<i32>} : memref<104x384xf32, #tpu.memory_space<vmem>>, vector<1x16xf32>,
      %swap3A_24 = arith.index_cast %add3A_19 : i32 to index
      %swap3A_25 = arith.constant 288 : index
      %swap3A_26 = tpu.vector_load %arg10[%swap3A_24, %swap3A_25] {strides = array<i32>} : memref<104x384xf32, #tpu.memory_space<vmem>>, vector<1x16xf32>,
      %swap3A_27 = vector.shape_cast %swap3A_26 : vector<1x16xf32> to vector<16xf32>
      %swap3A_28 = vector.shape_cast %broadcast_in_dim3A_3 : vector<16xf32> to vector<1x16xf32>
      tpu.vector_store %arg10[%swap3A_24, %swap3A_25], %swap3A_28 {strides = array<i32>} : memref<104x384xf32, #tpu.memory_space<vmem>>, vector<1x16xf32>,
      %swap3A_29 = arith.index_cast %add3A_19 : i32 to index
      %swap3A_30 = arith.constant 304 : index
      %swap3A_31 = tpu.vector_load %arg10[%swap3A_29, %swap3A_30] {strides = array<i32>} : memref<104x384xf32, #tpu.memory_space<vmem>>, vector<1x16xf32>,
      %swap3A_32 = vector.shape_cast %swap3A_31 : vector<1x16xf32> to vector<16xf32>
      %swap3A_33 = vector.shape_cast %broadcast_in_dim3A_3 : vector<16xf32> to vector<1x16xf32>
      tpu.vector_store %arg10[%swap3A_29, %swap3A_30], %swap3A_33 {strides = array<i32>} : memref<104x384xf32, #tpu.memory_space<vmem>>, vector<1x16xf32>,
      %swap3A_34 = arith.index_cast %add3A_19 : i32 to index
      %swap3A_35 = arith.constant 320 : index
      %swap3A_36 = tpu.vector_load %arg10[%swap3A_34, %swap3A_35] {strides = array<i32>} : memref<104x384xf32, #tpu.memory_space<vmem>>, vector<1x16xf32>,
      %swap3A_37 = vector.shape_cast %swap3A_36 : vector<1x16xf32> to vector<16xf32>
      %swap3A_38 = vector.shape_cast %broadcast_in_dim3A_3 : vector<16xf32> to vector<1x16xf32>
      tpu.vector_store %arg10[%swap3A_34, %swap3A_35], %swap3A_38 {strides = array<i32>} : memref<104x384xf32, #tpu.memory_space<vmem>>, vector<1x16xf32>,
      %swap3A_39 = arith.index_cast %add3A_19 : i32 to index
      %swap3A_40 = arith.constant 336 : index
      %swap3A_41 = tpu.vector_load %arg10[%swap3A_39, %swap3A_40] {strides = array<i32>} : memref<104x384xf32, #tpu.memory_space<vmem>>, vector<1x16xf32>,
      %swap3A_42 = vector.shape_cast %swap3A_41 : vector<1x16xf32> to vector<16xf32>
      %swap3A_43 = vector.shape_cast %broadcast_in_dim3A_3 : vector<16xf32> to vector<1x16xf32>
      tpu.vector_store %arg10[%swap3A_39, %swap3A_40], %swap3A_43 {strides = array<i32>} : memref<104x384xf32, #tpu.memory_space<vmem>>, vector<1x16xf32>,
      %swap3A_44 = arith.index_cast %add3A_19 : i32 to index
      %swap3A_45 = arith.constant 352 : index
      %swap3A_46 = tpu.vector_load %arg10[%swap3A_44, %swap3A_45] {strides = array<i32>} : memref<104x384xf32, #tpu.memory_space<vmem>>, vector<1x16xf32>,
      %swap3A_47 = vector.shape_cast %swap3A_46 : vector<1x16xf32> to vector<16xf32>
      %swap3A_48 = vector.shape_cast %broadcast_in_dim3A_3 : vector<16xf32> to vector<1x16xf32>
      tpu.vector_store %arg10[%swap3A_44, %swap3A_45], %swap3A_48 {strides = array<i32>} : memref<104x384xf32, #tpu.memory_space<vmem>>, vector<1x16xf32>,
      %swap3A_49 = arith.index_cast %add3A_19 : i32 to index
      %swap3A_50 = arith.constant 368 : index
      %swap3A_51 = tpu.vector_load %arg10[%swap3A_49, %swap3A_50] {strides = array<i32>} : memref<104x384xf32, #tpu.memory_space<vmem>>, vector<1x16xf32>,
      %swap3A_52 = vector.shape_cast %swap3A_51 : vector<1x16xf32> to vector<16xf32>
      %swap3A_53 = vector.shape_cast %broadcast_in_dim3A_3 : vector<16xf32> to vector<1x16xf32>
      tpu.vector_store %arg10[%swap3A_49, %swap3A_50], %swap3A_53 {strides = array<i32>} : memref<104x384xf32, #tpu.memory_space<vmem>>, vector<1x16xf32>,
      %swap3A_54 = arith.index_cast %add3A_19 : i32 to index
      %swap3A_55 = arith.constant 272 : index
      %swap3A_56 = tpu.vector_load %arg11[%swap3A_54, %swap3A_55] {strides = array<i32>} : memref<104x384xf32, #tpu.memory_space<vmem>>, vector<1x16xf32>,
      %swap3A_57 = vector.shape_cast %swap3A_56 : vector<1x16xf32> to vector<16xf32>
      %swap3A_58 = vector.shape_cast %get3A_2 : vector<16xf32> to vector<1x16xf32>
      tpu.vector_store %arg11[%swap3A_54, %swap3A_55], %swap3A_58 {strides = array<i32>} : memref<104x384xf32, #tpu.memory_space<vmem>>, vector<1x16xf32>,
      %swap3A_59 = arith.index_cast %add3A_19 : i32 to index
      %swap3A_60 = arith.constant 288 : index
      %swap3A_61 = tpu.vector_load %arg11[%swap3A_59, %swap3A_60] {strides = array<i32>} : memref<104x384xf32, #tpu.memory_space<vmem>>, vector<1x16xf32>,
      %swap3A_62 = vector.shape_cast %swap3A_61 : vector<1x16xf32> to vector<16xf32>
      %swap3A_63 = vector.shape_cast %broadcast_in_dim3A_3 : vector<16xf32> to vector<1x16xf32>
      tpu.vector_store %arg11[%swap3A_59, %swap3A_60], %swap3A_63 {strides = array<i32>} : memref<104x384xf32, #tpu.memory_space<vmem>>, vector<1x16xf32>,
      %swap3A_64 = arith.index_cast %add3A_19 : i32 to index
      %swap3A_65 = arith.constant 304 : index
      %swap3A_66 = tpu.vector_load %arg11[%swap3A_64, %swap3A_65] {strides = array<i32>} : memref<104x384xf32, #tpu.memory_space<vmem>>, vector<1x16xf32>,
      %swap3A_67 = vector.shape_cast %swap3A_66 : vector<1x16xf32> to vector<16xf32>
      %swap3A_68 = vector.shape_cast %broadcast_in_dim3A_3 : vector<16xf32> to vector<1x16xf32>
      tpu.vector_store %arg11[%swap3A_64, %swap3A_65], %swap3A_68 {strides = array<i32>} : memref<104x384xf32, #tpu.memory_space<vmem>>, vector<1x16xf32>,
      %swap3A_69 = arith.index_cast %add3A_19 : i32 to index
      %swap3A_70 = arith.constant 320 : index
      %swap3A_71 = tpu.vector_load %arg11[%swap3A_69, %swap3A_70] {strides = array<i32>} : memref<104x384xf32, #tpu.memory_space<vmem>>, vector<1x16xf32>,
      %swap3A_72 = vector.shape_cast %swap3A_71 : vector<1x16xf32> to vector<16xf32>
      %swap3A_73 = vector.shape_cast %broadcast_in_dim3A_3 : vector<16xf32> to vector<1x16xf32>
      tpu.vector_store %arg11[%swap3A_69, %swap3A_70], %swap3A_73 {strides = array<i32>} : memref<104x384xf32, #tpu.memory_space<vmem>>, vector<1x16xf32>,
      %swap3A_74 = arith.index_cast %add3A_19 : i32 to index
      %swap3A_75 = arith.constant 336 : index
      %swap3A_76 = tpu.vector_load %arg11[%swap3A_74, %swap3A_75] {strides = array<i32>} : memref<104x384xf32, #tpu.memory_space<vmem>>, vector<1x16xf32>,
      %swap3A_77 = vector.shape_cast %swap3A_76 : vector<1x16xf32> to vector<16xf32>
      %swap3A_78 = vector.shape_cast %broadcast_in_dim3A_3 : vector<16xf32> to vector<1x16xf32>
      tpu.vector_store %arg11[%swap3A_74, %swap3A_75], %swap3A_78 {strides = array<i32>} : memref<104x384xf32, #tpu.memory_space<vmem>>, vector<1x16xf32>,
      %swap3A_79 = arith.index_cast %add3A_19 : i32 to index
      %swap3A_80 = arith.constant 352 : index
      %swap3A_81 = tpu.vector_load %arg11[%swap3A_79, %swap3A_80] {strides = array<i32>} : memref<104x384xf32, #tpu.memory_space<vmem>>, vector<1x16xf32>,
      %swap3A_82 = vector.shape_cast %swap3A_81 : vector<1x16xf32> to vector<16xf32>
      %swap3A_83 = vector.shape_cast %broadcast_in_dim3A_3 : vector<16xf32> to vector<1x16xf32>
      tpu.vector_store %arg11[%swap3A_79, %swap3A_80], %swap3A_83 {strides = array<i32>} : memref<104x384xf32, #tpu.memory_space<vmem>>, vector<1x16xf32>,
      %swap3A_84 = arith.index_cast %add3A_19 : i32 to index
      %swap3A_85 = arith.constant 368 : index
      %swap3A_86 = tpu.vector_load %arg11[%swap3A_84, %swap3A_85] {strides = array<i32>} : memref<104x384xf32, #tpu.memory_space<vmem>>, vector<1x16xf32>,
      %swap3A_87 = vector.shape_cast %swap3A_86 : vector<1x16xf32> to vector<16xf32>
      %swap3A_88 = vector.shape_cast %broadcast_in_dim3A_3 : vector<16xf32> to vector<1x16xf32>
      tpu.vector_store %arg11[%swap3A_84, %swap3A_85], %swap3A_88 {strides = array<i32>} : memref<104x384xf32, #tpu.memory_space<vmem>>, vector<1x16xf32>,
    }
    %scan3A_7 = arith.constant 104 : i32
    %mul3A_8 = arith.constant 10000 : i32
    %mul3A_9 = arith.muli %add3A, %mul3A_8 : i32
    "tpu.region"() ({
      %run_scoped3A = tpu.sem_alloc : memref<!tpu.dma_semaphore, #tpu.memory_space<semaphore_mem>>
      %dma_start3A = tpu.memref_slice %arg5[%mul3A_9] : memref<320000xi32, #tpu.memory_space<hbm>> -> memref<10000xi32, #tpu.memory_space<hbm>>
      %dma_start3A_15 = tpu.memref_slice %arg5[%mul3A_9] : memref<320000xi32, #tpu.memory_space<hbm>> -> memref<10000xi32, #tpu.memory_space<hbm>>
      tpu.enqueue_dma source(%dma_start3A_15 : memref<10000xi32, #tpu.memory_space<hbm>>) target(%arg8 : memref<10000xi32, #tpu.memory_space<vmem>>) target_semaphore(%run_scoped3A : memref<!tpu.dma_semaphore, #tpu.memory_space<semaphore_mem>>)
      %dma_wait3A = tpu.memref_slice %arg5[%mul3A_9] : memref<320000xi32, #tpu.memory_space<hbm>> -> memref<10000xi32, #tpu.memory_space<hbm>>
      %dma_wait3A_16 = tpu.memref_slice %arg5[%mul3A_9] : memref<320000xi32, #tpu.memory_space<hbm>> -> memref<10000xi32, #tpu.memory_space<hbm>>
      tpu.wait_dma2 semaphore(%run_scoped3A : memref<!tpu.dma_semaphore, #tpu.memory_space<semaphore_mem>>) src(%dma_wait3A_16 : memref<10000xi32, #tpu.memory_space<hbm>>) dst(%arg8 : memref<10000xi32, #tpu.memory_space<vmem>>)
      tpu.yield
    }) : () -> ()
    "tpu.region"() ({
      %run_scoped3A = tpu.sem_alloc : memref<!tpu.dma_semaphore, #tpu.memory_space<semaphore_mem>>
      %dma_start3A = tpu.memref_slice %arg6[%mul3A_9] : memref<320000xi32, #tpu.memory_space<hbm>> -> memref<10000xi32, #tpu.memory_space<hbm>>
      %dma_start3A_15 = tpu.memref_slice %arg6[%mul3A_9] : memref<320000xi32, #tpu.memory_space<hbm>> -> memref<10000xi32, #tpu.memory_space<hbm>>
      tpu.enqueue_dma source(%dma_start3A_15 : memref<10000xi32, #tpu.memory_space<hbm>>) target(%arg9 : memref<10000xi32, #tpu.memory_space<vmem>>) target_semaphore(%run_scoped3A : memref<!tpu.dma_semaphore, #tpu.memory_space<semaphore_mem>>)
      %dma_wait3A = tpu.memref_slice %arg6[%mul3A_9] : memref<320000xi32, #tpu.memory_space<hbm>> -> memref<10000xi32, #tpu.memory_space<hbm>>
      %dma_wait3A_16 = tpu.memref_slice %arg6[%mul3A_9] : memref<320000xi32, #tpu.memory_space<hbm>> -> memref<10000xi32, #tpu.memory_space<hbm>>
      tpu.wait_dma2 semaphore(%run_scoped3A : memref<!tpu.dma_semaphore, #tpu.memory_space<semaphore_mem>>) src(%dma_wait3A_16 : memref<10000xi32, #tpu.memory_space<hbm>>) dst(%arg9 : memref<10000xi32, #tpu.memory_space<vmem>>)
      tpu.yield
    }) : () -> ()
    %scan3A_10 = arith.constant 0 : i32
    %scan3A_11 = arith.constant 49 : i32
    %scan3A_12 = arith.addi %scan3A_10, %scan3A_11 : i32
    %scan3A_13 = arith.constant 1 : i32
    scf.for %scan3A_15 = %scan3A_10 to %scan3A_12 step %scan3A_13  : i32 {
      %mul3A_16 = arith.constant 1 : i32
      %mul3A_17 = arith.muli %scan3A_15, %mul3A_16 : i32
      %add3A_18 = arith.constant 0 : i32
      %add3A_19 = arith.addi %add3A_18, %mul3A_17 : i32
      %mul3A_20 = arith.constant 2 : i32
      %mul3A_21 = arith.muli %mul3A_20, %add3A_19 : i32
      %mul3A_22 = arith.constant 10000 : i32
      %mul3A_23 = arith.muli %add3A, %mul3A_22 : i32
      %mul3A_24 = arith.constant 104 : i32
      %mul3A_25 = arith.muli %mul3A_21, %mul3A_24 : i32
      %min3A = arith.constant 9896 : i32
      %min3A_26 = arith.minsi %mul3A_25, %min3A : i32
      %add3A_27 = arith.addi %mul3A_23, %min3A_26 : i32
      %mul3A_28 = arith.constant 104 : i32
      %mul3A_29 = arith.muli %mul3A_21, %mul3A_28 : i32
      %min3A_30 = arith.constant 9896 : i32
      %min3A_31 = arith.minsi %mul3A_29, %min3A_30 : i32
      %dma_start3A = arith.constant 0 : i32
      %dma_start3A_32 = arith.constant 0 : i32
      %dma_start3A_33 = tpu.memref_slice %arg10[%dma_start3A, %dma_start3A_32] : memref<104x384xf32, #tpu.memory_space<vmem>> -> memref<104x128xf32, #tpu.memory_space<vmem>>
      %dma_start3A_34 = tpu.memref_slice %arg8[%min3A_31] : memref<10000xi32, #tpu.memory_space<vmem>> -> memref<104xi32, #tpu.memory_space<vmem>>
      %dma_start3A_35 = arith.constant 0 : i32
      %dma_start3A_36 = arith.constant 0 : i32
      %dma_start3A_37 = tpu.memref_slice %arg3[%dma_start3A_35, %dma_start3A_36] : memref<10000x128xf32, #tpu.memory_space<hbm>> -> memref<10000x128xf32, #tpu.memory_space<hbm>>
      tpu.enqueue_indirect_dma source(%dma_start3A_37 : memref<10000x128xf32, #tpu.memory_space<hbm>>) target(%dma_start3A_33 : memref<104x128xf32, #tpu.memory_space<vmem>>) offsets(%dma_start3A_34 : memref<104xi32, #tpu.memory_space<vmem>>) semaphore(%arg15 : memref<!tpu.dma_semaphore, #tpu.memory_space<semaphore_mem>>)
      %dma_start3A_38 = arith.constant 0 : i32
      %dma_start3A_39 = arith.constant 128 : i32
      %dma_start3A_40 = tpu.memref_slice %arg10[%dma_start3A_38, %dma_start3A_39] : memref<104x384xf32, #tpu.memory_space<vmem>> -> memref<104x128xf32, #tpu.memory_space<vmem>>
      %dma_start3A_41 = tpu.memref_slice %arg9[%min3A_31] : memref<10000xi32, #tpu.memory_space<vmem>> -> memref<104xi32, #tpu.memory_space<vmem>>
      %dma_start3A_42 = arith.constant 0 : i32
      %dma_start3A_43 = arith.constant 0 : i32
      %dma_start3A_44 = tpu.memref_slice %arg3[%dma_start3A_42, %dma_start3A_43] : memref<10000x128xf32, #tpu.memory_space<hbm>> -> memref<10000x128xf32, #tpu.memory_space<hbm>>
      tpu.enqueue_indirect_dma source(%dma_start3A_44 : memref<10000x128xf32, #tpu.memory_space<hbm>>) target(%dma_start3A_40 : memref<104x128xf32, #tpu.memory_space<vmem>>) offsets(%dma_start3A_41 : memref<104xi32, #tpu.memory_space<vmem>>) semaphore(%arg16 : memref<!tpu.dma_semaphore, #tpu.memory_space<semaphore_mem>>)
      "tpu.region"() ({
        %run_scoped3A = tpu.sem_alloc : memref<!tpu.dma_semaphore, #tpu.memory_space<semaphore_mem>>
        %dma_start3A_127 = arith.constant 0 : i32
        %dma_start3A_128 = tpu.memref_slice %arg2[%add3A_27, %dma_start3A_127] : memref<320000x16xf32, #tpu.memory_space<hbm>> -> memref<104x16xf32, #tpu.memory_space<hbm>>
        %dma_start3A_129 = arith.constant 0 : i32
        %dma_start3A_130 = tpu.memref_slice %arg2[%add3A_27, %dma_start3A_129] : memref<320000x16xf32, #tpu.memory_space<hbm>> -> memref<104x16xf32, #tpu.memory_space<hbm>>
        tpu.enqueue_dma source(%dma_start3A_130 : memref<104x16xf32, #tpu.memory_space<hbm>>) target(%arg12 : memref<104x16xf32, #tpu.memory_space<vmem>>) target_semaphore(%run_scoped3A : memref<!tpu.dma_semaphore, #tpu.memory_space<semaphore_mem>>)
        %dma_wait3A_131 = arith.constant 0 : i32
        %dma_wait3A_132 = tpu.memref_slice %arg2[%add3A_27, %dma_wait3A_131] : memref<320000x16xf32, #tpu.memory_space<hbm>> -> memref<104x16xf32, #tpu.memory_space<hbm>>
        %dma_wait3A_133 = arith.constant 0 : i32
        %dma_wait3A_134 = tpu.memref_slice %arg2[%add3A_27, %dma_wait3A_133] : memref<320000x16xf32, #tpu.memory_space<hbm>> -> memref<104x16xf32, #tpu.memory_space<hbm>>
        tpu.wait_dma2 semaphore(%run_scoped3A : memref<!tpu.dma_semaphore, #tpu.memory_space<semaphore_mem>>) src(%dma_wait3A_134 : memref<104x16xf32, #tpu.memory_space<hbm>>) dst(%arg12 : memref<104x16xf32, #tpu.memory_space<vmem>>)
        tpu.yield
      }) : () -> ()
      %dma_wait3A = arith.constant 0 : i32
      %dma_wait3A_45 = arith.constant 0 : i32
      %dma_wait3A_46 = tpu.memref_slice %arg10[%dma_wait3A, %dma_wait3A_45] : memref<104x384xf32, #tpu.memory_space<vmem>> -> memref<104x128xf32, #tpu.memory_space<vmem>>
      %dma_wait3A_47 = tpu.memref_slice %arg8[%min3A_31] : memref<10000xi32, #tpu.memory_space<vmem>> -> memref<104xi32, #tpu.memory_space<vmem>>
      %dma_wait3A_48 = arith.constant 0 : i32
      %dma_wait3A_49 = arith.constant 0 : i32
      %dma_wait3A_50 = tpu.memref_slice %arg3[%dma_wait3A_48, %dma_wait3A_49] : memref<10000x128xf32, #tpu.memory_space<hbm>> -> memref<10000x128xf32, #tpu.memory_space<hbm>>
      tpu.wait_indirect_dma semaphore(%arg15 : memref<!tpu.dma_semaphore, #tpu.memory_space<semaphore_mem>>) src(%dma_wait3A_50 : memref<10000x128xf32, #tpu.memory_space<hbm>>) dst(%dma_wait3A_46 : memref<104x128xf32, #tpu.memory_space<vmem>>)
      %dma_wait3A_51 = arith.constant 0 : i32
      %dma_wait3A_52 = arith.constant 128 : i32
      %dma_wait3A_53 = tpu.memref_slice %arg10[%dma_wait3A_51, %dma_wait3A_52] : memref<104x384xf32, #tpu.memory_space<vmem>> -> memref<104x128xf32, #tpu.memory_space<vmem>>
      %dma_wait3A_54 = tpu.memref_slice %arg9[%min3A_31] : memref<10000xi32, #tpu.memory_space<vmem>> -> memref<104xi32, #tpu.memory_space<vmem>>
      %dma_wait3A_55 = arith.constant 0 : i32
      %dma_wait3A_56 = arith.constant 0 : i32
      %dma_wait3A_57 = tpu.memref_slice %arg3[%dma_wait3A_55, %dma_wait3A_56] : memref<10000x128xf32, #tpu.memory_space<hbm>> -> memref<10000x128xf32, #tpu.memory_space<hbm>>
      tpu.wait_indirect_dma semaphore(%arg16 : memref<!tpu.dma_semaphore, #tpu.memory_space<semaphore_mem>>) src(%dma_wait3A_57 : memref<10000x128xf32, #tpu.memory_space<hbm>>) dst(%dma_wait3A_53 : memref<104x128xf32, #tpu.memory_space<vmem>>)
      %scan3A_58 = arith.constant 0 : i32
      %scan3A_59 = arith.constant 104 : i32
      %scan3A_60 = arith.addi %scan3A_58, %scan3A_59 : i32
      %scan3A_61 = arith.constant 4 : i32
      scf.for %scan3A_127 = %scan3A_58 to %scan3A_60 step %scan3A_61  : i32 {
        %mul3A_128 = arith.constant 1 : i32
        %mul3A_129 = arith.muli %scan3A_127, %mul3A_128 : i32
        %add3A_130 = arith.constant 0 : i32
        %add3A_131 = arith.addi %add3A_130, %mul3A_129 : i32
        %get3A_132 = arith.index_cast %add3A_131 : i32 to index
        %get3A_133 = arith.constant 128 : index
        %get3A_134 = tpu.vector_load %arg10[%get3A_132, %get3A_133] {strides = array<i32>} : memref<104x384xf32, #tpu.memory_space<vmem>>, vector<1x16xf32>,
        %get3A_135 = vector.shape_cast %get3A_134 : vector<1x16xf32> to vector<16xf32>
        %swap3A = arith.index_cast %add3A_131 : i32 to index
        %swap3A_136 = arith.constant 256 : index
        %swap3A_137 = tpu.vector_load %arg10[%swap3A, %swap3A_136] {strides = array<i32>} : memref<104x384xf32, #tpu.memory_space<vmem>>, vector<1x16xf32>,
        %swap3A_138 = vector.shape_cast %swap3A_137 : vector<1x16xf32> to vector<16xf32>
        %swap3A_139 = vector.shape_cast %get3A_135 : vector<16xf32> to vector<1x16xf32>
        tpu.vector_store %arg10[%swap3A, %swap3A_136], %swap3A_139 {strides = array<i32>} : memref<104x384xf32, #tpu.memory_space<vmem>>, vector<1x16xf32>,
        %get3A_140 = arith.index_cast %add3A_131 : i32 to index
        %get3A_141 = arith.constant 0 : index
        %get3A_142 = tpu.vector_load %arg10[%get3A_140, %get3A_141] {strides = array<i32>} : memref<104x384xf32, #tpu.memory_space<vmem>>, vector<1x16xf32>,
        %get3A_143 = vector.shape_cast %get3A_142 : vector<1x16xf32> to vector<16xf32>
        %swap3A_144 = arith.index_cast %add3A_131 : i32 to index
        %swap3A_145 = arith.constant 128 : index
        %swap3A_146 = tpu.vector_load %arg10[%swap3A_144, %swap3A_145] {strides = array<i32>} : memref<104x384xf32, #tpu.memory_space<vmem>>, vector<1x16xf32>,
        %swap3A_147 = vector.shape_cast %swap3A_146 : vector<1x16xf32> to vector<16xf32>
        %swap3A_148 = vector.shape_cast %get3A_143 : vector<16xf32> to vector<1x16xf32>
        tpu.vector_store %arg10[%swap3A_144, %swap3A_145], %swap3A_148 {strides = array<i32>} : memref<104x384xf32, #tpu.memory_space<vmem>>, vector<1x16xf32>,
        %get3A_149 = arith.index_cast %add3A_131 : i32 to index
        %get3A_150 = arith.constant 0 : index
        %get3A_151 = tpu.vector_load %arg12[%get3A_149, %get3A_150] {strides = array<i32>} : memref<104x16xf32, #tpu.memory_space<vmem>>, vector<1x16xf32>,
        %get3A_152 = vector.shape_cast %get3A_151 : vector<1x16xf32> to vector<16xf32>
        %swap3A_153 = arith.index_cast %add3A_131 : i32 to index
        %swap3A_154 = arith.constant 0 : index
        %swap3A_155 = tpu.vector_load %arg10[%swap3A_153, %swap3A_154] {strides = array<i32>} : memref<104x384xf32, #tpu.memory_space<vmem>>, vector<1x16xf32>,
        %swap3A_156 = vector.shape_cast %swap3A_155 : vector<1x16xf32> to vector<16xf32>
        %swap3A_157 = vector.shape_cast %get3A_152 : vector<16xf32> to vector<1x16xf32>
        tpu.vector_store %arg10[%swap3A_153, %swap3A_154], %swap3A_157 {strides = array<i32>} : memref<104x384xf32, #tpu.memory_space<vmem>>, vector<1x16xf32>,
        %scan3A_158 = arith.constant 1 : i32
        %scan3A_159 = arith.addi %scan3A_127, %scan3A_158 : i32
        %mul3A_160 = arith.constant 1 : i32
        %mul3A_161 = arith.muli %scan3A_159, %mul3A_160 : i32
        %add3A_162 = arith.constant 0 : i32
        %add3A_163 = arith.addi %add3A_162, %mul3A_161 : i32
        %get3A_164 = arith.index_cast %add3A_163 : i32 to index
        %get3A_165 = arith.constant 128 : index
        %get3A_166 = tpu.vector_load %arg10[%get3A_164, %get3A_165] {strides = array<i32>} : memref<104x384xf32, #tpu.memory_space<vmem>>, vector<1x16xf32>,
        %get3A_167 = vector.shape_cast %get3A_166 : vector<1x16xf32> to vector<16xf32>
        %swap3A_168 = arith.index_cast %add3A_163 : i32 to index
        %swap3A_169 = arith.constant 256 : index
        %swap3A_170 = tpu.vector_load %arg10[%swap3A_168, %swap3A_169] {strides = array<i32>} : memref<104x384xf32, #tpu.memory_space<vmem>>, vector<1x16xf32>,
        %swap3A_171 = vector.shape_cast %swap3A_170 : vector<1x16xf32> to vector<16xf32>
        %swap3A_172 = vector.shape_cast %get3A_167 : vector<16xf32> to vector<1x16xf32>
        tpu.vector_store %arg10[%swap3A_168, %swap3A_169], %swap3A_172 {strides = array<i32>} : memref<104x384xf32, #tpu.memory_space<vmem>>, vector<1x16xf32>,
        %get3A_173 = arith.index_cast %add3A_163 : i32 to index
        %get3A_174 = arith.constant 0 : index
        %get3A_175 = tpu.vector_load %arg10[%get3A_173, %get3A_174] {strides = array<i32>} : memref<104x384xf32, #tpu.memory_space<vmem>>, vector<1x16xf32>,
        %get3A_176 = vector.shape_cast %get3A_175 : vector<1x16xf32> to vector<16xf32>
        %swap3A_177 = arith.index_cast %add3A_163 : i32 to index
        %swap3A_178 = arith.constant 128 : index
        %swap3A_179 = tpu.vector_load %arg10[%swap3A_177, %swap3A_178] {strides = array<i32>} : memref<104x384xf32, #tpu.memory_space<vmem>>, vector<1x16xf32>,
        %swap3A_180 = vector.shape_cast %swap3A_179 : vector<1x16xf32> to vector<16xf32>
        %swap3A_181 = vector.shape_cast %get3A_176 : vector<16xf32> to vector<1x16xf32>
        tpu.vector_store %arg10[%swap3A_177, %swap3A_178], %swap3A_181 {strides = array<i32>} : memref<104x384xf32, #tpu.memory_space<vmem>>, vector<1x16xf32>,
        %get3A_182 = arith.index_cast %add3A_163 : i32 to index
        %get3A_183 = arith.constant 0 : index
        %get3A_184 = tpu.vector_load %arg12[%get3A_182, %get3A_183] {strides = array<i32>} : memref<104x16xf32, #tpu.memory_space<vmem>>, vector<1x16xf32>,
        %get3A_185 = vector.shape_cast %get3A_184 : vector<1x16xf32> to vector<16xf32>
        %swap3A_186 = arith.index_cast %add3A_163 : i32 to index
        %swap3A_187 = arith.constant 0 : index
        %swap3A_188 = tpu.vector_load %arg10[%swap3A_186, %swap3A_187] {strides = array<i32>} : memref<104x384xf32, #tpu.memory_space<vmem>>, vector<1x16xf32>,
        %swap3A_189 = vector.shape_cast %swap3A_188 : vector<1x16xf32> to vector<16xf32>
        %swap3A_190 = vector.shape_cast %get3A_185 : vector<16xf32> to vector<1x16xf32>
        tpu.vector_store %arg10[%swap3A_186, %swap3A_187], %swap3A_190 {strides = array<i32>} : memref<104x384xf32, #tpu.memory_space<vmem>>, vector<1x16xf32>,
        %scan3A_191 = arith.constant 2 : i32
        %scan3A_192 = arith.addi %scan3A_127, %scan3A_191 : i32
        %mul3A_193 = arith.constant 1 : i32
        %mul3A_194 = arith.muli %scan3A_192, %mul3A_193 : i32
        %add3A_195 = arith.constant 0 : i32
        %add3A_196 = arith.addi %add3A_195, %mul3A_194 : i32
        %get3A_197 = arith.index_cast %add3A_196 : i32 to index
        %get3A_198 = arith.constant 128 : index
        %get3A_199 = tpu.vector_load %arg10[%get3A_197, %get3A_198] {strides = array<i32>} : memref<104x384xf32, #tpu.memory_space<vmem>>, vector<1x16xf32>,
        %get3A_200 = vector.shape_cast %get3A_199 : vector<1x16xf32> to vector<16xf32>
        %swap3A_201 = arith.index_cast %add3A_196 : i32 to index
        %swap3A_202 = arith.constant 256 : index
        %swap3A_203 = tpu.vector_load %arg10[%swap3A_201, %swap3A_202] {strides = array<i32>} : memref<104x384xf32, #tpu.memory_space<vmem>>, vector<1x16xf32>,
        %swap3A_204 = vector.shape_cast %swap3A_203 : vector<1x16xf32> to vector<16xf32>
        %swap3A_205 = vector.shape_cast %get3A_200 : vector<16xf32> to vector<1x16xf32>
        tpu.vector_store %arg10[%swap3A_201, %swap3A_202], %swap3A_205 {strides = array<i32>} : memref<104x384xf32, #tpu.memory_space<vmem>>, vector<1x16xf32>,
        %get3A_206 = arith.index_cast %add3A_196 : i32 to index
        %get3A_207 = arith.constant 0 : index
        %get3A_208 = tpu.vector_load %arg10[%get3A_206, %get3A_207] {strides = array<i32>} : memref<104x384xf32, #tpu.memory_space<vmem>>, vector<1x16xf32>,
        %get3A_209 = vector.shape_cast %get3A_208 : vector<1x16xf32> to vector<16xf32>
        %swap3A_210 = arith.index_cast %add3A_196 : i32 to index
        %swap3A_211 = arith.constant 128 : index
        %swap3A_212 = tpu.vector_load %arg10[%swap3A_210, %swap3A_211] {strides = array<i32>} : memref<104x384xf32, #tpu.memory_space<vmem>>, vector<1x16xf32>,
        %swap3A_213 = vector.shape_cast %swap3A_212 : vector<1x16xf32> to vector<16xf32>
        %swap3A_214 = vector.shape_cast %get3A_209 : vector<16xf32> to vector<1x16xf32>
        tpu.vector_store %arg10[%swap3A_210, %swap3A_211], %swap3A_214 {strides = array<i32>} : memref<104x384xf32, #tpu.memory_space<vmem>>, vector<1x16xf32>,
        %get3A_215 = arith.index_cast %add3A_196 : i32 to index
        %get3A_216 = arith.constant 0 : index
        %get3A_217 = tpu.vector_load %arg12[%get3A_215, %get3A_216] {strides = array<i32>} : memref<104x16xf32, #tpu.memory_space<vmem>>, vector<1x16xf32>,
        %get3A_218 = vector.shape_cast %get3A_217 : vector<1x16xf32> to vector<16xf32>
        %swap3A_219 = arith.index_cast %add3A_196 : i32 to index
        %swap3A_220 = arith.constant 0 : index
        %swap3A_221 = tpu.vector_load %arg10[%swap3A_219, %swap3A_220] {strides = array<i32>} : memref<104x384xf32, #tpu.memory_space<vmem>>, vector<1x16xf32>,
        %swap3A_222 = vector.shape_cast %swap3A_221 : vector<1x16xf32> to vector<16xf32>
        %swap3A_223 = vector.shape_cast %get3A_218 : vector<16xf32> to vector<1x16xf32>
        tpu.vector_store %arg10[%swap3A_219, %swap3A_220], %swap3A_223 {strides = array<i32>} : memref<104x384xf32, #tpu.memory_space<vmem>>, vector<1x16xf32>,
        %scan3A_224 = arith.constant 3 : i32
        %scan3A_225 = arith.addi %scan3A_127, %scan3A_224 : i32
        %mul3A_226 = arith.constant 1 : i32
        %mul3A_227 = arith.muli %scan3A_225, %mul3A_226 : i32
        %add3A_228 = arith.constant 0 : i32
        %add3A_229 = arith.addi %add3A_228, %mul3A_227 : i32
        %get3A_230 = arith.index_cast %add3A_229 : i32 to index
        %get3A_231 = arith.constant 128 : index
        %get3A_232 = tpu.vector_load %arg10[%get3A_230, %get3A_231] {strides = array<i32>} : memref<104x384xf32, #tpu.memory_space<vmem>>, vector<1x16xf32>,
        %get3A_233 = vector.shape_cast %get3A_232 : vector<1x16xf32> to vector<16xf32>
        %swap3A_234 = arith.index_cast %add3A_229 : i32 to index
        %swap3A_235 = arith.constant 256 : index
        %swap3A_236 = tpu.vector_load %arg10[%swap3A_234, %swap3A_235] {strides = array<i32>} : memref<104x384xf32, #tpu.memory_space<vmem>>, vector<1x16xf32>,
        %swap3A_237 = vector.shape_cast %swap3A_236 : vector<1x16xf32> to vector<16xf32>
        %swap3A_238 = vector.shape_cast %get3A_233 : vector<16xf32> to vector<1x16xf32>
        tpu.vector_store %arg10[%swap3A_234, %swap3A_235], %swap3A_238 {strides = array<i32>} : memref<104x384xf32, #tpu.memory_space<vmem>>, vector<1x16xf32>,
        %get3A_239 = arith.index_cast %add3A_229 : i32 to index
        %get3A_240 = arith.constant 0 : index
        %get3A_241 = tpu.vector_load %arg10[%get3A_239, %get3A_240] {strides = array<i32>} : memref<104x384xf32, #tpu.memory_space<vmem>>, vector<1x16xf32>,
        %get3A_242 = vector.shape_cast %get3A_241 : vector<1x16xf32> to vector<16xf32>
        %swap3A_243 = arith.index_cast %add3A_229 : i32 to index
        %swap3A_244 = arith.constant 128 : index
        %swap3A_245 = tpu.vector_load %arg10[%swap3A_243, %swap3A_244] {strides = array<i32>} : memref<104x384xf32, #tpu.memory_space<vmem>>, vector<1x16xf32>,
        %swap3A_246 = vector.shape_cast %swap3A_245 : vector<1x16xf32> to vector<16xf32>
        %swap3A_247 = vector.shape_cast %get3A_242 : vector<16xf32> to vector<1x16xf32>
        tpu.vector_store %arg10[%swap3A_243, %swap3A_244], %swap3A_247 {strides = array<i32>} : memref<104x384xf32, #tpu.memory_space<vmem>>, vector<1x16xf32>,
        %get3A_248 = arith.index_cast %add3A_229 : i32 to index
        %get3A_249 = arith.constant 0 : index
        %get3A_250 = tpu.vector_load %arg12[%get3A_248, %get3A_249] {strides = array<i32>} : memref<104x16xf32, #tpu.memory_space<vmem>>, vector<1x16xf32>,
        %get3A_251 = vector.shape_cast %get3A_250 : vector<1x16xf32> to vector<16xf32>
        %swap3A_252 = arith.index_cast %add3A_229 : i32 to index
        %swap3A_253 = arith.constant 0 : index
        %swap3A_254 = tpu.vector_load %arg10[%swap3A_252, %swap3A_253] {strides = array<i32>} : memref<104x384xf32, #tpu.memory_space<vmem>>, vector<1x16xf32>,
        %swap3A_255 = vector.shape_cast %swap3A_254 : vector<1x16xf32> to vector<16xf32>
        %swap3A_256 = vector.shape_cast %get3A_251 : vector<16xf32> to vector<1x16xf32>
        tpu.vector_store %arg10[%swap3A_252, %swap3A_253], %swap3A_256 {strides = array<i32>} : memref<104x384xf32, #tpu.memory_space<vmem>>, vector<1x16xf32>,
      }
      %scan3A_62 = arith.constant 104 : i32
      %dma_start3A_63 = arith.constant 0 : i32
      %dma_start3A_64 = tpu.memref_slice %arg7[%add3A_27, %dma_start3A_63] : memref<320000x384xf32, #tpu.memory_space<hbm>> -> memref<104x384xf32, #tpu.memory_space<hbm>>
      %dma_start3A_65 = arith.constant 0 : i32
      %dma_start3A_66 = tpu.memref_slice %arg7[%add3A_27, %dma_start3A_65] : memref<320000x384xf32, #tpu.memory_space<hbm>> -> memref<104x384xf32, #tpu.memory_space<hbm>>
      tpu.enqueue_dma source(%arg10 : memref<104x384xf32, #tpu.memory_space<vmem>>) target(%dma_start3A_66 : memref<104x384xf32, #tpu.memory_space<hbm>>) target_semaphore(%arg17 : memref<!tpu.dma_semaphore, #tpu.memory_space<semaphore_mem>>)
      %mul3A_67 = arith.constant 2 : i32
      %mul3A_68 = arith.muli %mul3A_67, %add3A_19 : i32
      %add3A_69 = arith.constant 1 : i32
      %add3A_70 = arith.addi %mul3A_68, %add3A_69 : i32
      %mul3A_71 = arith.constant 10000 : i32
      %mul3A_72 = arith.muli %add3A, %mul3A_71 : i32
      %mul3A_73 = arith.constant 104 : i32
      %mul3A_74 = arith.muli %add3A_70, %mul3A_73 : i32
      %min3A_75 = arith.constant 9896 : i32
      %min3A_76 = arith.minsi %mul3A_74, %min3A_75 : i32
      %add3A_77 = arith.addi %mul3A_72, %min3A_76 : i32
      %mul3A_78 = arith.constant 104 : i32
      %mul3A_79 = arith.muli %add3A_70, %mul3A_78 : i32
      %min3A_80 = arith.constant 9896 : i32
      %min3A_81 = arith.minsi %mul3A_79, %min3A_80 : i32
      %dma_start3A_82 = arith.constant 0 : i32
      %dma_start3A_83 = arith.constant 0 : i32
      %dma_start3A_84 = tpu.memref_slice %arg11[%dma_start3A_82, %dma_start3A_83] : memref<104x384xf32, #tpu.memory_space<vmem>> -> memref<104x128xf32, #tpu.memory_space<vmem>>
      %dma_start3A_85 = tpu.memref_slice %arg8[%min3A_81] : memref<10000xi32, #tpu.memory_space<vmem>> -> memref<104xi32, #tpu.memory_space<vmem>>
      %dma_start3A_86 = arith.constant 0 : i32
      %dma_start3A_87 = arith.constant 0 : i32
      %dma_start3A_88 = tpu.memref_slice %arg3[%dma_start3A_86, %dma_start3A_87] : memref<10000x128xf32, #tpu.memory_space<hbm>> -> memref<10000x128xf32, #tpu.memory_space<hbm>>
      tpu.enqueue_indirect_dma source(%dma_start3A_88 : memref<10000x128xf32, #tpu.memory_space<hbm>>) target(%dma_start3A_84 : memref<104x128xf32, #tpu.memory_space<vmem>>) offsets(%dma_start3A_85 : memref<104xi32, #tpu.memory_space<vmem>>) semaphore(%arg15 : memref<!tpu.dma_semaphore, #tpu.memory_space<semaphore_mem>>)
      %dma_start3A_89 = arith.constant 0 : i32
      %dma_start3A_90 = arith.constant 128 : i32
      %dma_start3A_91 = tpu.memref_slice %arg11[%dma_start3A_89, %dma_start3A_90] : memref<104x384xf32, #tpu.memory_space<vmem>> -> memref<104x128xf32, #tpu.memory_space<vmem>>
      %dma_start3A_92 = tpu.memref_slice %arg9[%min3A_81] : memref<10000xi32, #tpu.memory_space<vmem>> -> memref<104xi32, #tpu.memory_space<vmem>>
      %dma_start3A_93 = arith.constant 0 : i32
      %dma_start3A_94 = arith.constant 0 : i32
      %dma_start3A_95 = tpu.memref_slice %arg3[%dma_start3A_93, %dma_start3A_94] : memref<10000x128xf32, #tpu.memory_space<hbm>> -> memref<10000x128xf32, #tpu.memory_space<hbm>>
      tpu.enqueue_indirect_dma source(%dma_start3A_95 : memref<10000x128xf32, #tpu.memory_space<hbm>>) target(%dma_start3A_91 : memref<104x128xf32, #tpu.memory_space<vmem>>) offsets(%dma_start3A_92 : memref<104xi32, #tpu.memory_space<vmem>>) semaphore(%arg16 : memref<!tpu.dma_semaphore, #tpu.memory_space<semaphore_mem>>)
      "tpu.region"() ({
        %run_scoped3A = tpu.sem_alloc : memref<!tpu.dma_semaphore, #tpu.memory_space<semaphore_mem>>
        %dma_start3A_127 = arith.constant 0 : i32
        %dma_start3A_128 = tpu.memref_slice %arg2[%add3A_77, %dma_start3A_127] : memref<320000x16xf32, #tpu.memory_space<hbm>> -> memref<104x16xf32, #tpu.memory_space<hbm>>
        %dma_start3A_129 = arith.constant 0 : i32
        %dma_start3A_130 = tpu.memref_slice %arg2[%add3A_77, %dma_start3A_129] : memref<320000x16xf32, #tpu.memory_space<hbm>> -> memref<104x16xf32, #tpu.memory_space<hbm>>
        tpu.enqueue_dma source(%dma_start3A_130 : memref<104x16xf32, #tpu.memory_space<hbm>>) target(%arg13 : memref<104x16xf32, #tpu.memory_space<vmem>>) target_semaphore(%run_scoped3A : memref<!tpu.dma_semaphore, #tpu.memory_space<semaphore_mem>>)
        %dma_wait3A_131 = arith.constant 0 : i32
        %dma_wait3A_132 = tpu.memref_slice %arg2[%add3A_77, %dma_wait3A_131] : memref<320000x16xf32, #tpu.memory_space<hbm>> -> memref<104x16xf32, #tpu.memory_space<hbm>>
        %dma_wait3A_133 = arith.constant 0 : i32
        %dma_wait3A_134 = tpu.memref_slice %arg2[%add3A_77, %dma_wait3A_133] : memref<320000x16xf32, #tpu.memory_space<hbm>> -> memref<104x16xf32, #tpu.memory_space<hbm>>
        tpu.wait_dma2 semaphore(%run_scoped3A : memref<!tpu.dma_semaphore, #tpu.memory_space<semaphore_mem>>) src(%dma_wait3A_134 : memref<104x16xf32, #tpu.memory_space<hbm>>) dst(%arg13 : memref<104x16xf32, #tpu.memory_space<vmem>>)
        tpu.yield
      }) : () -> ()
      %dma_wait3A_96 = arith.constant 0 : i32
      %dma_wait3A_97 = tpu.memref_slice %arg7[%add3A_27, %dma_wait3A_96] : memref<320000x384xf32, #tpu.memory_space<hbm>> -> memref<104x384xf32, #tpu.memory_space<hbm>>
      %dma_wait3A_98 = arith.constant 0 : i32
      %dma_wait3A_99 = tpu.memref_slice %arg7[%add3A_27, %dma_wait3A_98] : memref<320000x384xf32, #tpu.memory_space<hbm>> -> memref<104x384xf32, #tpu.memory_space<hbm>>
      tpu.wait_dma2 semaphore(%arg17 : memref<!tpu.dma_semaphore, #tpu.memory_space<semaphore_mem>>) src(%arg10 : memref<104x384xf32, #tpu.memory_space<vmem>>) dst(%dma_wait3A_99 : memref<104x384xf32, #tpu.memory_space<hbm>>)
      %dma_wait3A_100 = arith.constant 0 : i32
      %dma_wait3A_101 = arith.constant 0 : i32
      %dma_wait3A_102 = tpu.memref_slice %arg11[%dma_wait3A_100, %dma_wait3A_101] : memref<104x384xf32, #tpu.memory_space<vmem>> -> memref<104x128xf32, #tpu.memory_space<vmem>>
      %dma_wait3A_103 = tpu.memref_slice %arg8[%min3A_81] : memref<10000xi32, #tpu.memory_space<vmem>> -> memref<104xi32, #tpu.memory_space<vmem>>
      %dma_wait3A_104 = arith.constant 0 : i32
      %dma_wait3A_105 = arith.constant 0 : i32
      %dma_wait3A_106 = tpu.memref_slice %arg3[%dma_wait3A_104, %dma_wait3A_105] : memref<10000x128xf32, #tpu.memory_space<hbm>> -> memref<10000x128xf32, #tpu.memory_space<hbm>>
      tpu.wait_indirect_dma semaphore(%arg15 : memref<!tpu.dma_semaphore, #tpu.memory_space<semaphore_mem>>) src(%dma_wait3A_106 : memref<10000x128xf32, #tpu.memory_space<hbm>>) dst(%dma_wait3A_102 : memref<104x128xf32, #tpu.memory_space<vmem>>)
      %dma_wait3A_107 = arith.constant 0 : i32
      %dma_wait3A_108 = arith.constant 128 : i32
      %dma_wait3A_109 = tpu.memref_slice %arg11[%dma_wait3A_107, %dma_wait3A_108] : memref<104x384xf32, #tpu.memory_space<vmem>> -> memref<104x128xf32, #tpu.memory_space<vmem>>
      %dma_wait3A_110 = tpu.memref_slice %arg9[%min3A_81] : memref<10000xi32, #tpu.memory_space<vmem>> -> memref<104xi32, #tpu.memory_space<vmem>>
      %dma_wait3A_111 = arith.constant 0 : i32
      %dma_wait3A_112 = arith.constant 0 : i32
      %dma_wait3A_113 = tpu.memref_slice %arg3[%dma_wait3A_111, %dma_wait3A_112] : memref<10000x128xf32, #tpu.memory_space<hbm>> -> memref<10000x128xf32, #tpu.memory_space<hbm>>
      tpu.wait_indirect_dma semaphore(%arg16 : memref<!tpu.dma_semaphore, #tpu.memory_space<semaphore_mem>>) src(%dma_wait3A_113 : memref<10000x128xf32, #tpu.memory_space<hbm>>) dst(%dma_wait3A_109 : memref<104x128xf32, #tpu.memory_space<vmem>>)
      %scan3A_114 = arith.constant 0 : i32
      %scan3A_115 = arith.constant 104 : i32
      %scan3A_116 = arith.addi %scan3A_114, %scan3A_115 : i32
      %scan3A_117 = arith.constant 4 : i32
      scf.for %scan3A_127 = %scan3A_114 to %scan3A_116 step %scan3A_117  : i32 {
        %mul3A_128 = arith.constant 1 : i32
        %mul3A_129 = arith.muli %scan3A_127, %mul3A_128 : i32
        %add3A_130 = arith.constant 0 : i32
        %add3A_131 = arith.addi %add3A_130, %mul3A_129 : i32
        %get3A_132 = arith.index_cast %add3A_131 : i32 to index
        %get3A_133 = arith.constant 128 : index
        %get3A_134 = tpu.vector_load %arg11[%get3A_132, %get3A_133] {strides = array<i32>} : memref<104x384xf32, #tpu.memory_space<vmem>>, vector<1x16xf32>,
        %get3A_135 = vector.shape_cast %get3A_134 : vector<1x16xf32> to vector<16xf32>
        %swap3A = arith.index_cast %add3A_131 : i32 to index
        %swap3A_136 = arith.constant 256 : index
        %swap3A_137 = tpu.vector_load %arg11[%swap3A, %swap3A_136] {strides = array<i32>} : memref<104x384xf32, #tpu.memory_space<vmem>>, vector<1x16xf32>,
        %swap3A_138 = vector.shape_cast %swap3A_137 : vector<1x16xf32> to vector<16xf32>
        %swap3A_139 = vector.shape_cast %get3A_135 : vector<16xf32> to vector<1x16xf32>
        tpu.vector_store %arg11[%swap3A, %swap3A_136], %swap3A_139 {strides = array<i32>} : memref<104x384xf32, #tpu.memory_space<vmem>>, vector<1x16xf32>,
        %get3A_140 = arith.index_cast %add3A_131 : i32 to index
        %get3A_141 = arith.constant 0 : index
        %get3A_142 = tpu.vector_load %arg11[%get3A_140, %get3A_141] {strides = array<i32>} : memref<104x384xf32, #tpu.memory_space<vmem>>, vector<1x16xf32>,
        %get3A_143 = vector.shape_cast %get3A_142 : vector<1x16xf32> to vector<16xf32>
        %swap3A_144 = arith.index_cast %add3A_131 : i32 to index
        %swap3A_145 = arith.constant 128 : index
        %swap3A_146 = tpu.vector_load %arg11[%swap3A_144, %swap3A_145] {strides = array<i32>} : memref<104x384xf32, #tpu.memory_space<vmem>>, vector<1x16xf32>,
        %swap3A_147 = vector.shape_cast %swap3A_146 : vector<1x16xf32> to vector<16xf32>
        %swap3A_148 = vector.shape_cast %get3A_143 : vector<16xf32> to vector<1x16xf32>
        tpu.vector_store %arg11[%swap3A_144, %swap3A_145], %swap3A_148 {strides = array<i32>} : memref<104x384xf32, #tpu.memory_space<vmem>>, vector<1x16xf32>,
        %get3A_149 = arith.index_cast %add3A_131 : i32 to index
        %get3A_150 = arith.constant 0 : index
        %get3A_151 = tpu.vector_load %arg13[%get3A_149, %get3A_150] {strides = array<i32>} : memref<104x16xf32, #tpu.memory_space<vmem>>, vector<1x16xf32>,
        %get3A_152 = vector.shape_cast %get3A_151 : vector<1x16xf32> to vector<16xf32>
        %swap3A_153 = arith.index_cast %add3A_131 : i32 to index
        %swap3A_154 = arith.constant 0 : index
        %swap3A_155 = tpu.vector_load %arg11[%swap3A_153, %swap3A_154] {strides = array<i32>} : memref<104x384xf32, #tpu.memory_space<vmem>>, vector<1x16xf32>,
        %swap3A_156 = vector.shape_cast %swap3A_155 : vector<1x16xf32> to vector<16xf32>
        %swap3A_157 = vector.shape_cast %get3A_152 : vector<16xf32> to vector<1x16xf32>
        tpu.vector_store %arg11[%swap3A_153, %swap3A_154], %swap3A_157 {strides = array<i32>} : memref<104x384xf32, #tpu.memory_space<vmem>>, vector<1x16xf32>,
        %scan3A_158 = arith.constant 1 : i32
        %scan3A_159 = arith.addi %scan3A_127, %scan3A_158 : i32
        %mul3A_160 = arith.constant 1 : i32
        %mul3A_161 = arith.muli %scan3A_159, %mul3A_160 : i32
        %add3A_162 = arith.constant 0 : i32
        %add3A_163 = arith.addi %add3A_162, %mul3A_161 : i32
        %get3A_164 = arith.index_cast %add3A_163 : i32 to index
        %get3A_165 = arith.constant 128 : index
        %get3A_166 = tpu.vector_load %arg11[%get3A_164, %get3A_165] {strides = array<i32>} : memref<104x384xf32, #tpu.memory_space<vmem>>, vector<1x16xf32>,
        %get3A_167 = vector.shape_cast %get3A_166 : vector<1x16xf32> to vector<16xf32>
        %swap3A_168 = arith.index_cast %add3A_163 : i32 to index
        %swap3A_169 = arith.constant 256 : index
        %swap3A_170 = tpu.vector_load %arg11[%swap3A_168, %swap3A_169] {strides = array<i32>} : memref<104x384xf32, #tpu.memory_space<vmem>>, vector<1x16xf32>,
        %swap3A_171 = vector.shape_cast %swap3A_170 : vector<1x16xf32> to vector<16xf32>
        %swap3A_172 = vector.shape_cast %get3A_167 : vector<16xf32> to vector<1x16xf32>
        tpu.vector_store %arg11[%swap3A_168, %swap3A_169], %swap3A_172 {strides = array<i32>} : memref<104x384xf32, #tpu.memory_space<vmem>>, vector<1x16xf32>,
        %get3A_173 = arith.index_cast %add3A_163 : i32 to index
        %get3A_174 = arith.constant 0 : index
        %get3A_175 = tpu.vector_load %arg11[%get3A_173, %get3A_174] {strides = array<i32>} : memref<104x384xf32, #tpu.memory_space<vmem>>, vector<1x16xf32>,
        %get3A_176 = vector.shape_cast %get3A_175 : vector<1x16xf32> to vector<16xf32>
        %swap3A_177 = arith.index_cast %add3A_163 : i32 to index
        %swap3A_178 = arith.constant 128 : index
        %swap3A_179 = tpu.vector_load %arg11[%swap3A_177, %swap3A_178] {strides = array<i32>} : memref<104x384xf32, #tpu.memory_space<vmem>>, vector<1x16xf32>,
        %swap3A_180 = vector.shape_cast %swap3A_179 : vector<1x16xf32> to vector<16xf32>
        %swap3A_181 = vector.shape_cast %get3A_176 : vector<16xf32> to vector<1x16xf32>
        tpu.vector_store %arg11[%swap3A_177, %swap3A_178], %swap3A_181 {strides = array<i32>} : memref<104x384xf32, #tpu.memory_space<vmem>>, vector<1x16xf32>,
        %get3A_182 = arith.index_cast %add3A_163 : i32 to index
        %get3A_183 = arith.constant 0 : index
        %get3A_184 = tpu.vector_load %arg13[%get3A_182, %get3A_183] {strides = array<i32>} : memref<104x16xf32, #tpu.memory_space<vmem>>, vector<1x16xf32>,
        %get3A_185 = vector.shape_cast %get3A_184 : vector<1x16xf32> to vector<16xf32>
        %swap3A_186 = arith.index_cast %add3A_163 : i32 to index
        %swap3A_187 = arith.constant 0 : index
        %swap3A_188 = tpu.vector_load %arg11[%swap3A_186, %swap3A_187] {strides = array<i32>} : memref<104x384xf32, #tpu.memory_space<vmem>>, vector<1x16xf32>,
        %swap3A_189 = vector.shape_cast %swap3A_188 : vector<1x16xf32> to vector<16xf32>
        %swap3A_190 = vector.shape_cast %get3A_185 : vector<16xf32> to vector<1x16xf32>
        tpu.vector_store %arg11[%swap3A_186, %swap3A_187], %swap3A_190 {strides = array<i32>} : memref<104x384xf32, #tpu.memory_space<vmem>>, vector<1x16xf32>,
        %scan3A_191 = arith.constant 2 : i32
        %scan3A_192 = arith.addi %scan3A_127, %scan3A_191 : i32
        %mul3A_193 = arith.constant 1 : i32
        %mul3A_194 = arith.muli %scan3A_192, %mul3A_193 : i32
        %add3A_195 = arith.constant 0 : i32
        %add3A_196 = arith.addi %add3A_195, %mul3A_194 : i32
        %get3A_197 = arith.index_cast %add3A_196 : i32 to index
        %get3A_198 = arith.constant 128 : index
        %get3A_199 = tpu.vector_load %arg11[%get3A_197, %get3A_198] {strides = array<i32>} : memref<104x384xf32, #tpu.memory_space<vmem>>, vector<1x16xf32>,
        %get3A_200 = vector.shape_cast %get3A_199 : vector<1x16xf32> to vector<16xf32>
        %swap3A_201 = arith.index_cast %add3A_196 : i32 to index
        %swap3A_202 = arith.constant 256 : index
        %swap3A_203 = tpu.vector_load %arg11[%swap3A_201, %swap3A_202] {strides = array<i32>} : memref<104x384xf32, #tpu.memory_space<vmem>>, vector<1x16xf32>,
        %swap3A_204 = vector.shape_cast %swap3A_203 : vector<1x16xf32> to vector<16xf32>
        %swap3A_205 = vector.shape_cast %get3A_200 : vector<16xf32> to vector<1x16xf32>
        tpu.vector_store %arg11[%swap3A_201, %swap3A_202], %swap3A_205 {strides = array<i32>} : memref<104x384xf32, #tpu.memory_space<vmem>>, vector<1x16xf32>,
        %get3A_206 = arith.index_cast %add3A_196 : i32 to index
        %get3A_207 = arith.constant 0 : index
        %get3A_208 = tpu.vector_load %arg11[%get3A_206, %get3A_207] {strides = array<i32>} : memref<104x384xf32, #tpu.memory_space<vmem>>, vector<1x16xf32>,
        %get3A_209 = vector.shape_cast %get3A_208 : vector<1x16xf32> to vector<16xf32>
        %swap3A_210 = arith.index_cast %add3A_196 : i32 to index
        %swap3A_211 = arith.constant 128 : index
        %swap3A_212 = tpu.vector_load %arg11[%swap3A_210, %swap3A_211] {strides = array<i32>} : memref<104x384xf32, #tpu.memory_space<vmem>>, vector<1x16xf32>,
        %swap3A_213 = vector.shape_cast %swap3A_212 : vector<1x16xf32> to vector<16xf32>
        %swap3A_214 = vector.shape_cast %get3A_209 : vector<16xf32> to vector<1x16xf32>
        tpu.vector_store %arg11[%swap3A_210, %swap3A_211], %swap3A_214 {strides = array<i32>} : memref<104x384xf32, #tpu.memory_space<vmem>>, vector<1x16xf32>,
        %get3A_215 = arith.index_cast %add3A_196 : i32 to index
        %get3A_216 = arith.constant 0 : index
        %get3A_217 = tpu.vector_load %arg13[%get3A_215, %get3A_216] {strides = array<i32>} : memref<104x16xf32, #tpu.memory_space<vmem>>, vector<1x16xf32>,
        %get3A_218 = vector.shape_cast %get3A_217 : vector<1x16xf32> to vector<16xf32>
        %swap3A_219 = arith.index_cast %add3A_196 : i32 to index
        %swap3A_220 = arith.constant 0 : index
        %swap3A_221 = tpu.vector_load %arg11[%swap3A_219, %swap3A_220] {strides = array<i32>} : memref<104x384xf32, #tpu.memory_space<vmem>>, vector<1x16xf32>,
        %swap3A_222 = vector.shape_cast %swap3A_221 : vector<1x16xf32> to vector<16xf32>
        %swap3A_223 = vector.shape_cast %get3A_218 : vector<16xf32> to vector<1x16xf32>
        tpu.vector_store %arg11[%swap3A_219, %swap3A_220], %swap3A_223 {strides = array<i32>} : memref<104x384xf32, #tpu.memory_space<vmem>>, vector<1x16xf32>,
        %scan3A_224 = arith.constant 3 : i32
        %scan3A_225 = arith.addi %scan3A_127, %scan3A_224 : i32
        %mul3A_226 = arith.constant 1 : i32
        %mul3A_227 = arith.muli %scan3A_225, %mul3A_226 : i32
        %add3A_228 = arith.constant 0 : i32
        %add3A_229 = arith.addi %add3A_228, %mul3A_227 : i32
        %get3A_230 = arith.index_cast %add3A_229 : i32 to index
        %get3A_231 = arith.constant 128 : index
        %get3A_232 = tpu.vector_load %arg11[%get3A_230, %get3A_231] {strides = array<i32>} : memref<104x384xf32, #tpu.memory_space<vmem>>, vector<1x16xf32>,
        %get3A_233 = vector.shape_cast %get3A_232 : vector<1x16xf32> to vector<16xf32>
        %swap3A_234 = arith.index_cast %add3A_229 : i32 to index
        %swap3A_235 = arith.constant 256 : index
        %swap3A_236 = tpu.vector_load %arg11[%swap3A_234, %swap3A_235] {strides = array<i32>} : memref<104x384xf32, #tpu.memory_space<vmem>>, vector<1x16xf32>,
        %swap3A_237 = vector.shape_cast %swap3A_236 : vector<1x16xf32> to vector<16xf32>
        %swap3A_238 = vector.shape_cast %get3A_233 : vector<16xf32> to vector<1x16xf32>
        tpu.vector_store %arg11[%swap3A_234, %swap3A_235], %swap3A_238 {strides = array<i32>} : memref<104x384xf32, #tpu.memory_space<vmem>>, vector<1x16xf32>,
        %get3A_239 = arith.index_cast %add3A_229 : i32 to index
        %get3A_240 = arith.constant 0 : index
        %get3A_241 = tpu.vector_load %arg11[%get3A_239, %get3A_240] {strides = array<i32>} : memref<104x384xf32, #tpu.memory_space<vmem>>, vector<1x16xf32>,
        %get3A_242 = vector.shape_cast %get3A_241 : vector<1x16xf32> to vector<16xf32>
        %swap3A_243 = arith.index_cast %add3A_229 : i32 to index
        %swap3A_244 = arith.constant 128 : index
        %swap3A_245 = tpu.vector_load %arg11[%swap3A_243, %swap3A_244] {strides = array<i32>} : memref<104x384xf32, #tpu.memory_space<vmem>>, vector<1x16xf32>,
        %swap3A_246 = vector.shape_cast %swap3A_245 : vector<1x16xf32> to vector<16xf32>
        %swap3A_247 = vector.shape_cast %get3A_242 : vector<16xf32> to vector<1x16xf32>
        tpu.vector_store %arg11[%swap3A_243, %swap3A_244], %swap3A_247 {strides = array<i32>} : memref<104x384xf32, #tpu.memory_space<vmem>>, vector<1x16xf32>,
        %get3A_248 = arith.index_cast %add3A_229 : i32 to index
        %get3A_249 = arith.constant 0 : index
        %get3A_250 = tpu.vector_load %arg13[%get3A_248, %get3A_249] {strides = array<i32>} : memref<104x16xf32, #tpu.memory_space<vmem>>, vector<1x16xf32>,
        %get3A_251 = vector.shape_cast %get3A_250 : vector<1x16xf32> to vector<16xf32>
        %swap3A_252 = arith.index_cast %add3A_229 : i32 to index
        %swap3A_253 = arith.constant 0 : index
        %swap3A_254 = tpu.vector_load %arg11[%swap3A_252, %swap3A_253] {strides = array<i32>} : memref<104x384xf32, #tpu.memory_space<vmem>>, vector<1x16xf32>,
        %swap3A_255 = vector.shape_cast %swap3A_254 : vector<1x16xf32> to vector<16xf32>
        %swap3A_256 = vector.shape_cast %get3A_251 : vector<16xf32> to vector<1x16xf32>
        tpu.vector_store %arg11[%swap3A_252, %swap3A_253], %swap3A_256 {strides = array<i32>} : memref<104x384xf32, #tpu.memory_space<vmem>>, vector<1x16xf32>,
      }
      %scan3A_118 = arith.constant 104 : i32
      %dma_start3A_119 = arith.constant 0 : i32
      %dma_start3A_120 = tpu.memref_slice %arg7[%add3A_77, %dma_start3A_119] : memref<320000x384xf32, #tpu.memory_space<hbm>> -> memref<104x384xf32, #tpu.memory_space<hbm>>
      %dma_start3A_121 = arith.constant 0 : i32
      %dma_start3A_122 = tpu.memref_slice %arg7[%add3A_77, %dma_start3A_121] : memref<320000x384xf32, #tpu.memory_space<hbm>> -> memref<104x384xf32, #tpu.memory_space<hbm>>
      tpu.enqueue_dma source(%arg11 : memref<104x384xf32, #tpu.memory_space<vmem>>) target(%dma_start3A_122 : memref<104x384xf32, #tpu.memory_space<hbm>>) target_semaphore(%arg18 : memref<!tpu.dma_semaphore, #tpu.memory_space<semaphore_mem>>)
      %dma_wait3A_123 = arith.constant 0 : i32
      %dma_wait3A_124 = tpu.memref_slice %arg7[%add3A_77, %dma_wait3A_123] : memref<320000x384xf32, #tpu.memory_space<hbm>> -> memref<104x384xf32, #tpu.memory_space<hbm>>
      %dma_wait3A_125 = arith.constant 0 : i32
      %dma_wait3A_126 = tpu.memref_slice %arg7[%add3A_77, %dma_wait3A_125] : memref<320000x384xf32, #tpu.memory_space<hbm>> -> memref<104x384xf32, #tpu.memory_space<hbm>>
      tpu.wait_dma2 semaphore(%arg18 : memref<!tpu.dma_semaphore, #tpu.memory_space<semaphore_mem>>) src(%arg11 : memref<104x384xf32, #tpu.memory_space<vmem>>) dst(%dma_wait3A_126 : memref<104x384xf32, #tpu.memory_space<hbm>>)
    }
    %scan3A_14 = arith.constant 49 : i32
    return
  }
}

</mosaic_0001>

<sc_bundles>
// kernel: kernel.3.cloned.1.call-start
scs
__scs_entry_jumppad:
0x0: {  	(pc) =	sbr.rel $0x88, $3  }
0x1: {  	(tag) =	ssettag $0x0;
	lr =	simm.s32 $0x1  }
0x2: {  	[smem:$0x3F9C] =	sst lr;
	_ =	strace $0xD0000000  }
0x3: {  	_ = 	snop  }
0x4: {  	_ = 	snop  }
0x5: {  	_ = 	snop  }
0x6: {  	_ = 	snop  }
0x7: {  	_ = 	snop  }
__scs_overlays_trampoline_lowered:
0x8: {  	[smem:$0x3FAB] =	sst s0  }
0x9: {  	[smem:$0x3FAC] =	sst s1  }
0xa: {  	[smem:$0x3FAD] =	sst s2  }
0xb: {  	[smem:$0x3FAE] =	sst s3  }
0xc: {  	[smem:$0x3FAF] =	sst s4  }
0xd: {  	[smem:$0x3FB0] =	sst s5  }
0xe: {  	[smem:$0x3FB1] =	sst s6  }
0xf: {  	[smem:$0x3FB2] =	sst s7  }
0x10: {  	[smem:$0x3FB3] =	sst s8  }
0x11: {  	[smem:$0x3FB4] =	sst s9;
	s0 =	simm.s32 @!p0 $0x0  }
0x12: {  	s1 =	sld [smem:$0x3F9A];
	s0 =	simm.s32 @p0 $0x1  }
0x13: {  	[smem:$0x3FB5] =	sst s0;
	s0 =	simm.s32 @!p1 $0x0  }
0x14: {  	s2 =	sld [smem:$0x3F99];
	s0 =	simm.s32 @p1 $0x1  }
0x15: {  	[smem:$0x3FB6] =	sst s0;
	s0 =	simm.s32 @!p2 $0x0  }
0x16: {  	s3 =	sld [smem:$0x3FDB];
	s0 =	simm.s32 @p2 $0x1  }
0x17: {  	s4 =	simm.s32 $0x1BF5;
	[smem:$0x3FB8] =	sst s0  }
0x18: {  	s0 =	sld [smem:$0x3F9B];
	_ =	swait.ge [sflag:s4], $0x0  }
0x19: {  	s7 =	sld [smem:$0x3F9C]  }
0x1a: {  	s8 =	sadd.s32 $0xFFFFE003, lr  }
0x1b: {  	s9 =	sadd.s32 $0xFFFFFEF7, lr;
	s5 =	simm.s32 $0xFFFFFFFF;
	p2 =	slt.u32 s8, $0xFFFFF086  }
0x1c: {  	p1 =	slt.u32 s9, $0xF7A;
	s5 =	simm.s32 @!p2 $0x0  }
0x1d: {  	s5 =	simm.s32 @p1 $0x1;
	p0 =	seq.s32 s7, s2  }
0x1e: {  	s7 =	smul.u32 @!p0 $0xF7A, s2;
	p2 =	seq.s32 @!p0 s5, $0x0  }
0x1f: {  	s9 =	smul.u32 $0xF7A, s1;
	s8 =	simm.s32 @!p0 $0x1BF5;
	p2 =	por !p2, p0  }
0x20: {  	[sflag:s8] =	ssyncset.s32 @!p0 $0xFFFFF086;
	s6 =	sadd.s32 @!p0 s3, s7;
	s7 =	simm.s32 @!p0 $0x108  }
0x21: {  	s3 =	sadd.s32 s3, s9;
	s6 =	sadd.s32 @!p0 $0x88, s6;
	s7 =	simm.s32 @p2 $0x1082  }
0x22: {  	[simem:s7], [sflag:s8] =	dma.local @!p0 [hbm:s6], $0xF7A  }
0x23: {  	s9 =	sor.u32 $0xD0000000, s2;
	s6 =	simm.s32 $0x108;
	_ =	swait.ge @!p0 [sflag:s8], $0x0  }
0x24: {  	s3 =	sadd.s32 $0x88, s3;
	s6 =	simm.s32 @!p1 $0x1082;
	[sflag:s4] =	ssyncset.s32 $0xFFFFF086  }
0x25: {  	[simem:s6], [sflag:s4] =	dma.local [hbm:s3], $0xF7A  }
0x26: {  	[smem:$0x3F9C] =	sst s1;
	(tag) =	ssettag s2;
	_ =	strace s9  }
0x27: {  	s1 =	sld [smem:$0x3FAC]  }
0x28: {  	s2 =	sld [smem:$0x3FAD]  }
0x29: {  	s4 =	sld [smem:$0x3FAF]  }
0x2a: {  	p0 =	seq.s32 s5, $0x0;
	s5 =	sld [smem:$0x3FB0]  }
0x2b: {  	s6 =	sld [smem:$0x3FB1]  }
0x2c: {  	s7 =	sld [smem:$0x3FB2]  }
0x2d: {  	s3 =	simm.s32 $0x108;
	s8 =	sld [smem:$0x3FB3]  }
0x2e: {  	s3 =	simm.s32 @!p0 $0x1082;
	s9 =	sld [smem:$0x3FB4]  }
0x2f: {  	lr =	sadd.s32 s0, s3;
	s0 =	sld [smem:$0x3FAB]  }
0x30: {  	s3 =	sld [smem:$0x3FAE]  }
0x31: {  	[smem:$0x3FB7] =	sst s10  }
0x32: {  	s10 =	sld [smem:$0x3FB5];
	_ =	sdelay $0x3  }
0x33: {  	p0 =	seq.s32 s10, $0x1;
	s10 =	sld [smem:$0x3FB7];
	_ =	sdelay $0x3  }
0x34: {  	[smem:$0x3FB7] =	sst s10  }
0x35: {  	s10 =	sld [smem:$0x3FB6];
	_ =	sdelay $0x3  }
0x36: {  	p1 =	seq.s32 s10, $0x1;
	s10 =	sld [smem:$0x3FB7];
	_ =	sdelay $0x3  }
0x37: {  	[smem:$0x3FB7] =	sst s10  }
0x38: {  	s10 =	sld [smem:$0x3FB8]  }
0x39: {  	_ = 	snop;
	(pc) =	sbr.ind lr, $3  }
0x3a: {  	_ = 	snop  }
0x3b: {  	_ = 	snop  }
0x3c: {  	p2 =	seq.s32 s10, $0x1;
	s10 =	sld [smem:$0x3FB7]  }
0x3d: {  	_ =	shalt  }
0x3e: {  	_ =	shalt  }
0x3f: {  	_ =	shalt  }
0x40: {  	_ =	shalt  }
0x41: {  	_ =	shalt  }
0x42: {  	_ =	shalt  }
0x43: {  	_ =	shalt  }
0x44: {  	_ =	shalt  }
0x45: {  	_ =	shalt  }
0x46: {  	_ =	shalt  }
0x47: {  	_ =	shalt  }
0x48: {  	_ =	shalt  }
0x49: {  	_ =	shalt  }
0x4a: {  	_ =	shalt  }
0x4b: {  	_ =	shalt  }
0x4c: {  	_ =	shalt  }
0x4d: {  	_ =	shalt  }
0x4e: {  	_ =	shalt  }
0x4f: {  	_ =	shalt  }
0x50: {  	_ =	shalt  }
0x51: {  	_ =	shalt  }
0x52: {  	_ =	shalt  }
0x53: {  	_ =	shalt  }
0x54: {  	_ =	shalt  }
0x55: {  	_ =	shalt  }
0x56: {  	_ =	shalt  }
0x57: {  	_ =	shalt  }
0x58: {  	_ =	shalt  }
0x59: {  	_ =	shalt  }
0x5a: {  	_ =	shalt  }
0x5b: {  	_ =	shalt  }
0x5c: {  	_ =	shalt  }
0x5d: {  	_ =	shalt  }
0x5e: {  	_ =	shalt  }
0x5f: {  	_ =	shalt  }
0x60: {  	_ =	shalt  }
0x61: {  	_ =	shalt  }
0x62: {  	_ =	shalt  }
0x63: {  	_ =	shalt  }
0x64: {  	_ =	shalt  }
0x65: {  	_ =	shalt  }
0x66: {  	_ =	shalt  }
0x67: {  	_ =	shalt  }
0x68: {  	_ =	shalt  }
0x69: {  	_ =	shalt  }
0x6a: {  	_ =	shalt  }
0x6b: {  	_ =	shalt  }
0x6c: {  	_ =	shalt  }
0x6d: {  	_ =	shalt  }
0x6e: {  	_ =	shalt  }
0x6f: {  	_ =	shalt  }
0x70: {  	_ =	shalt  }
0x71: {  	_ =	shalt  }
0x72: {  	_ =	shalt  }
0x73: {  	_ =	shalt  }
0x74: {  	_ =	shalt  }
0x75: {  	_ =	shalt  }
0x76: {  	_ =	shalt  }
0x77: {  	_ =	shalt  }
0x78: {  	_ =	shalt  }
0x79: {  	_ =	shalt  }
0x7a: {  	_ =	shalt  }
0x7b: {  	_ =	shalt  }
0x7c: {  	_ =	shalt  }
0x7d: {  	_ =	shalt  }
0x7e: {  	_ =	shalt  }
0x7f: {  	_ =	shalt  }
0x80: {  	_ =	shalt  }
0x81: {  	_ =	shalt  }
0x82: {  	_ =	shalt  }
0x83: {  	_ =	shalt  }
0x84: {  	_ =	shalt  }
0x85: {  	_ =	shalt  }
0x86: {  	_ =	shalt  }
0x87: {  	_ =	shalt  }
.Lfunc_end0:
.L_simem_size_0:
called_computation.1_lowered:
.L_overlay_start_0:
0x88: {  	s2 =	sld [smem:$0x3FD9]  }
0x89: {  	s3 =	sld [smem:$0x3FFE];
	_ =	sdelay $0x1  }
0x8a: {  	s1 =	srdreg.scid  }
0x8b: {  	s0 =	sand.u32 $0x1, s1  }
0x8c: {  	s17 =	sshll.u32 s0, $0xA;
	s2 =	sadd.s32 s3, s2  }
0x8d: {  	s2 =	sadd.s32 s2, s17  }
0x8e: {  	[smem:$0x3FC3] =	sst s2  }
0x8f: {  	_ = 	snop  }
0x90: {  	s2 =	sld [smem:$0x3FC7]  }
0x91: {  	s18 =	sld [smem:$0x3FC6]  }
0x92: {  	s4 =	sld [smem:$0x3FC5]  }
0x93: {  	s5 =	sld [smem:$0x3FD0];
	(tm) =	ssettm $0x1  }
0x94: {  	s6 =	sld [smem:$0x3FFB];
	_ =	sdelay $0x3  }
0x95: {  	_ =	strace s6  }
0x96: {  	s6 =	sld [smem:$0x3FFC];
	_ =	sdelay $0x3  }
0x97: {  	_ =	strace s6  }
0x98: {  	s6 =	sld [smem:$0x3FFD];
	_ =	sdelay $0x3  }
0x99: {  	_ =	strace s6  }
0x9a: {  	_ =	strace $0x8FFFFFFF  }
0x9b: {  	s19 =	sld [smem:$0x3FDB];
	_ =	sdelay $0x1  }
0x9c: {  	s7 =	simm.s32 $_scs_section_size  }
0x9d: {  	s8 =	simm.s32 $_size__tile_overlayer_lowered;
	s9 =	simm.s32 $_tile_overlayer_lowered  }
0x9e: {  	s22 =	simm.s32 $0x1BFF;
	s21 =	sshll.u32 s9, $0x1;
	s6 =	sadd.s32 s7, s19  }
0x9f: {  	s10 =	simm.s32 $0x0;
	s20 =	sshll.u32 s8, $0x1;
	s8 =	sadd.s32 s21, s6  }
0xa0: {  	[timem:s10], [sflag:s22] =	dma.local [hbm:s8], s20  }
0xa1: {  	_ =	swait.ge [sflag:s22], s20  }
0xa2: {  	s7 =	ssub.s32 $0x0, s20;
	[sflag:s22] =	ssyncset.done $0x0  }
0xa3: {  	[sflag:s22] =	ssyncadd.s32 s7;
	_ =	sdelay $0x1  }
0xa4: {  	s23 =	simm.s32 $0x1B8B  }
0xa5: {  	_ =	swait.ge [sflag:s23], $0x1  }
0xa6: {  	[sflag:s23] =	ssyncset.done $0x0  }
0xa7: {  	s25 =	simm.s32 $0x1B8E;
	s24 =	sld [smem:$0x3FFE];
	[sflag:s23] =	ssyncadd.s32 $0xFFFFFFFF  }
0xa8: {  	s26 =	simm.s32 $execute0_lowered;
	[smem:$0x3FD2] =	sst s25  }
0xa9: {  	s8 =	sshll.u32 s26, $0x1;
	_ =	strace $0x80000046;
	[dreg:$0x1] =	wrdreg $0xFFFFFFFF  }
0xaa: {  	s28 =	simm.s32 $_size_execute0_lowered;
	s6 =	sadd.s32 s6, s8;
	[dreg:$0x0] =	wrdreg $0x0  }
0xab: {  	s8 =	sshll.u32 s28, $0x1;
	[dreg:$0x2] =	wrdreg s6  }
0xac: {  	[dreg:$0x3] =	wrdreg s8  }
0xad: {  	[dreg:$0x4] =	wrdreg $0xC0  }
0xae: {  	_ =	task [dreg:s10], $0x5FFFF  }
0xaf: {  	[dreg:$0x1] =	wrdreg $0xFFFFFFFF  }
0xb0: {  	[dreg:$0x0] =	wrdreg $0x60  }
0xb1: {  	[dreg:$0x2] =	wrdreg s5  }
0xb2: {  	[dreg:$0x3] =	wrdreg s24  }
0xb3: {  	[dreg:$0x4] =	wrdreg s2  }
0xb4: {  	[dreg:$0x5] =	wrdreg s18  }
0xb5: {  	[dreg:$0x6] =	wrdreg s4  }
0xb6: {  	[dreg:$0x7] =	wrdreg $0x9  }
0xb7: {  	_ =	task.clear_ibuf [dreg:s10], $0x8FFFF;
	_ =	strace $0x90000046  }
0xb8: {  	s29 =	simm.s32 $0x9;
	_ =	strace $0x80000048  }
0xb9: {  	_ =	swait.ge [sflag:s29], $0x1  }
0xba: {  	[sflag:s29] =	ssyncadd.s32 $0xFFFFFFFF  }
0xbb: {  	_ =	strace $0x90000048  }
0xbc: {  	_ =	sfence  }
0xbd: {  	s30 =	sld [smem:$0x0];
	_ =	sdelay $0x2  }
0xbe: {  	s31 =	sshll.u32 s1, $0xD;
	s1 =	sshrl.u32 s1, $0x2  }
0xbf: {  	s3 =	sand.u32 $0x4000, s31;
	s1 =	sadd.s32 s1, s30  }
0xc0: {  	s0 =	sor.u32 s3, s0;
	s1 =	sshll.u32 s1, $0x11  }
0xc1: {  	s0 =	sor.u32 s1, s0  }
0xc2: {  	s0 =	sadd.s32 $0x8F2B, s0  }
0xc3: {  	[sflag:s0] =	ssyncadd.remote.s32 $0x1  }
0xc4: {  	_ =	sfence.sel $0xFFFF  }
0xc5: {  	[dreg:$0x0] =	wrdreg $0xFFFFFFFF;
	(pc) =	sbr.abs _section_cstart, $3  }
0xc6: {  	[dreg:$0x1] =	wrdreg $0xFFFFFFFF  }
0xc7: {  	_ =	task.clear_ibuf [dreg:s10], $0x2FFFF;
	_ =	strace $0x9FFFFFFF  }
0xc8: {  	(tm) =	ssettm $0x7FFFFFFF  }
0xc9: {  	_ =	shalt  }
tec
execute0_lowered:
.L_overlay_start_1:
0x0: {  	(tag) =	ssettag $0x1  }
0x1: {  	s0 =	rddreg [dreg:$0x0]  }
0x2: {  	s1 =	rddreg [dreg:$0x1]  }
0x3: {  	s2 =	rddreg [dreg:$0x3];
	s3 =	srdreg.scid  }
0x4: {  	s4 =	stileid.u32;
	s8 =	rddreg [dreg:$0x4];
	s12 =	simm.s32 $0x5  }
0x5: {  	s14 =	simm.s32 $0x4F00;
	s17 =	simm.s32 $0x1;
	s18 =	simm.s32 $0x2  }
0x6: {  	s19 =	simm.s32 $0xEB00;
	s15 =	simm.s32 $0x14300;
	s16 =	simm.s32 $0x14F00  }
0x7: {  	s20 =	simm.s32 $0x15B00;
	s21 =	simm.s32 $0x16700;
	s22 =	simm.s32 $0x17300  }
0x8: {  	s23 =	simm.s32 $0x17F00;
	s3 =	sand.u32 $0x1, s3;
	s5 =	sshll.u32 s4, $0x1  }
0x9: {  	s24 =	simm.s32 $0x1BB00;
	s5 =	sor.u32 s3, s5;
	s3 =	ssub.s32 $0x2, s3  }
0xa: {  	s4 =	simm.s32 $0x0;
	s5 =	smul.u32 $0x2710, s5;
	s30 =	sshrl.u32 s3, $0x1  }
0xb: {  	s6 =	sadd.s32 $0xA00, s1;
	s7 =	sadd.s32 $0x27C00, s1;
	s1 =	ssub.s32 s3, s30  }
0xc: {  	[smem:$0x7FF] =	sst s4;
	s9 =	sshrl.u32 s5, $0x3;
	s1 =	smax.u32 s1, $0x1  }
0xd: {  	v3 =	vlaneseq.u32;
	_ =	strace $0x80000047;
	s2 =	sadd.s32 s2, s9;
	[dreg:$0x8] =	wrdreg s1  }
0xe: {  	v0 =	vimm.f32 $0.0e+00;
	vm0 =	vmmov $0xff;
	s25 =	simm.s32 $0x3;
	v2 =	vshrl.u32 v3, $0x3;
	s31 =	sadd.s32 s8, s9;
	[dreg:$0x6] =	wrdreg s2  }
0xf: {  	s26 =	simm.s32 $0x4;
	v1 =	vand.u32 $0x7, v3;
	v3 =	vor.u32 $0x8, v3;
	v2 =	vmul.u32 $0x8, v2;
	[dreg:$0x7] =	wrdreg s31;
	s2 =	simm.s32 $0x0  }
.LBB2_1:
0x10: {  	[dreg:$0x9] =	wrdreg s2  }
0x11: {  	s1 =	rddreg [dreg:$0x2];
	s29 =	simm.s32 $0x1EF00;
	s30 =	simm.s32 $0x0  }
0x12: {  	[tilespmem:s29], [sflag:$0x5] =	stream.linear.gather [hbm4b:s1+s4], $0x80, $0x38;
	[tilespmem:$0x1EF80] =	vst v63  }
0x13: {  	s1 =	smul.u32 $0xC00, s30;
	_ =	swait.ge [sflag:s12], $0x80  }
0x14: {  	s31 =	sand.u32 $0x380, s4;
	[sflag:s12] =	ssyncset.done $0x0  }
0x15: {  	s1 =	sor.u32 s31, s1;
	[sflag:s12] =	ssyncadd.s32 $0xFFFFFF80  }
0x16: {  	v4 =	vld [tilespmem:$0x1EF00];
	[tilespmem:s1+$0xF370] =	vst v0  }
0x17: {  	[tilespmem:s1+$0x5720] =	vst v0  }
0x18: {  	[tilespmem:s1+$0x5730] =	vst v0  }
0x19: {  	[tilespmem:s1+$0x5740] =	vst v0  }
0x1a: {  	[tilespmem:s1+$0x5750] =	vst v0  }
0x1b: {  	[tilespmem:s1+$0x5760] =	vst v0  }
0x1c: {  	[tilespmem:s1+$0x5770] =	vst v0  }
0x1d: {  	[tilespmem:s1+$0xF320] =	vst v0  }
0x1e: {  	[tilespmem:s1+$0xF330] =	vst v0  }
0x1f: {  	[tilespmem:s1+$0x5710] =	vst v4  }
0x20: {  	s11 =	simm.s32 $0x0;
	s3 =	simm.s32 $0x2;
	s2 =	simm.s32 $0x0;
	[tilespmem:s1+$0xF310] =	vst v4  }
.LBB2_2:
0x21: {  	p0 =	sne.s32 s3, $0x67;
	s11 =	smul.u32 $0xC00, s11;
	[tilespmem:s1+$0xF340] =	vst v0;
	s2 =	sadd.s32 $0x80, s2  }
0x22: {  	s13 =	sand.u32 $0x380, s2;
	[tilespmem:s1+$0xF350] =	vst v0  }
0x23: {  	[tilespmem:s1+$0xF360] =	vst v0;
	s1 =	sor.u32 s13, s11  }
0x24: {  	[tilespmem:s1+$0xF370] =	vst v0  }
0x25: {  	[tilespmem:s1+$0x5710] =	vst v4  }
0x26: {  	[tilespmem:s1+$0x5720] =	vst v0  }
0x27: {  	[tilespmem:s1+$0x5730] =	vst v0  }
0x28: {  	[tilespmem:s1+$0x5740] =	vst v0  }
0x29: {  	[tilespmem:s1+$0x5750] =	vst v0  }
.Ltmp0:
0x2a: {  	[tilespmem:s1+$0x5760] =	vst v0;
	(pc) =	sbr.rel @p0 .LBB2_2-.Ltmp0, $4  }
0x2b: {  	[tilespmem:s1+$0x5770] =	vst v0  }
0x2c: {  	[tilespmem:s1+$0xF310] =	vst v4  }
0x2d: {  	[tilespmem:s1+$0xF320] =	vst v0  }
0x2e: {  	s11 =	sshrl.u32 s3, $0x3;
	s3 =	sadd.s32 $0x1, s3;
	[tilespmem:s1+$0xF330] =	vst v0  }
0x2f: {  	s3 =	smul.u32 $0xC00, s11;
	[tilespmem:s1+$0xF340] =	vst v0;
	s2 =	sadd.s32 $0x80, s2  }
0x30: {  	[tilespmem:s1+$0xF350] =	vst v0;
	s2 =	sand.u32 $0x380, s2  }
0x31: {  	[tilespmem:s1+$0xF360] =	vst v0;
	s2 =	sor.u32 s2, s3  }
0x32: {  	[tilespmem:s2+$0xF370] =	vst v0  }
0x33: {  	[tilespmem:s2+$0x5710] =	vst v4  }
0x34: {  	[tilespmem:s2+$0x5720] =	vst v0  }
0x35: {  	[tilespmem:s2+$0x5730] =	vst v0  }
0x36: {  	[tilespmem:s2+$0x5740] =	vst v0  }
0x37: {  	[tilespmem:s2+$0x5750] =	vst v0  }
0x38: {  	[tilespmem:s2+$0x5760] =	vst v0  }
0x39: {  	[tilespmem:s2+$0x5770] =	vst v0  }
0x3a: {  	[tilespmem:s2+$0xF310] =	vst v4  }
0x3b: {  	[tilespmem:s2+$0xF320] =	vst v0  }
0x3c: {  	[tilespmem:s2+$0xF330] =	vst v0  }
0x3d: {  	[tilespmem:s2+$0xF340] =	vst v0  }
0x3e: {  	[tilespmem:s2+$0xF350] =	vst v0  }
0x3f: {  	s28 =	simm.s32 $0x0;
	s29 =	rddreg [dreg:$0x6];
	[tilespmem:s2+$0xF360] =	vst v0  }
0x40: {  	[tilespmem:s28], [sflag:$0x5] =	stream.linear.gather [hbm4b:s29+s28], $0x2710, $0x38;
	[tilespmem:$0x1EF80] =	vst v63  }
0x41: {  	_ =	swait.ge [sflag:s12], $0x2710  }
0x42: {  	[sflag:s12] =	ssyncset.done $0x0  }
0x43: {  	s31 =	simm.s32 $0x2780;
	s30 =	rddreg [dreg:$0x7];
	[sflag:s12] =	ssyncadd.s32 $0xFFFFD8F0  }
0x44: {  	[tilespmem:s31], [sflag:$0x5] =	stream.linear.gather [hbm4b:s30+s28], $0x2710, $0x38;
	[tilespmem:$0x1EF80] =	vst v63  }
0x45: {  	_ =	swait.ge [sflag:s12], $0x2710  }
0x46: {  	[sflag:s12] =	ssyncset.done $0x0  }
0x47: {  	[sflag:s12] =	ssyncadd.s32 $0xFFFFD8F0  }
.LBB2_4:
0x48: {  	s29 =	smul.u32 $0xD0, s28;
	_ =	sdelay $0x1  }
0x49: {  	s1 =	smin.u32 s29, $0x26A8  }
0x4a: {  	v4 =	vld [tilespmem:s1+$0x0];
	_ =	sdelay $0x4  }
0x4b: {  	v5 =	vperm.xlane v4, v1;
	_ =	sdelay $0x1  }
0x4c: {  	v4 =	vperm.xlane v4, v3;
	v5 =	vadd.s32 v2, v5;
	_ =	sdelay $0x1  }
0x4d: {  	v4 =	vadd.s32 v2, v4;
	_ =	sdelay $0x2  }
0x4e: {  	[tilespmem:s14], [sflag:$0x1] =	stream.indirect_vreg.gather [hbm4b:s6+s4], $0x80, v5, vm0, $0xb8;
	[tilespmem:$0x1EF80] =	vst v63  }
0x4f: {  	s2 =	simm.s32 $0x5B00  }
0x50: {  	[tilespmem:s2], [sflag:$0x1] =	stream.indirect_vreg.gather [hbm4b:s6+s4], $0x80, v4, vm0, $0xb8;
	[tilespmem:$0x1EF80] =	vst v63  }
0x51: {  	v4 =	vld [tilespmem:s1+$0x10];
	_ =	sdelay $0x4  }
0x52: {  	v5 =	vperm.xlane v4, v1;
	_ =	sdelay $0x1  }
0x53: {  	v4 =	vperm.xlane v4, v3;
	v5 =	vadd.s32 v2, v5;
	_ =	sdelay $0x1  }
0x54: {  	v4 =	vadd.s32 v2, v4;
	_ =	sdelay $0x1  }
0x55: {  	s11 =	simm.s32 $0x6700  }
0x56: {  	[tilespmem:s11], [sflag:$0x1] =	stream.indirect_vreg.gather [hbm4b:s6+s4], $0x80, v5, vm0, $0xb8;
	[tilespmem:$0x1EF80] =	vst v63  }
0x57: {  	s13 =	simm.s32 $0x7300  }
0x58: {  	[tilespmem:s13], [sflag:$0x1] =	stream.indirect_vreg.gather [hbm4b:s6+s4], $0x80, v4, vm0, $0xb8;
	[tilespmem:$0x1EF80] =	vst v63  }
0x59: {  	v4 =	vld [tilespmem:s1+$0x20];
	_ =	sdelay $0x4  }
0x5a: {  	v5 =	vperm.xlane v4, v1;
	_ =	sdelay $0x1  }
0x5b: {  	v4 =	vperm.xlane v4, v3;
	v5 =	vadd.s32 v2, v5;
	_ =	sdelay $0x1  }
0x5c: {  	v4 =	vadd.s32 v2, v4;
	_ =	sdelay $0x1  }
0x5d: {  	s3 =	simm.s32 $0x7F00  }
0x5e: {  	[tilespmem:s3], [sflag:$0x1] =	stream.indirect_vreg.gather [hbm4b:s6+s4], $0x80, v5, vm0, $0xb8;
	[tilespmem:$0x1EF80] =	vst v63  }
0x5f: {  	s8 =	simm.s32 $0x8B00  }
0x60: {  	[tilespmem:s8], [sflag:$0x1] =	stream.indirect_vreg.gather [hbm4b:s6+s4], $0x80, v4, vm0, $0xb8;
	[tilespmem:$0x1EF80] =	vst v63  }
0x61: {  	v4 =	vld [tilespmem:s1+$0x30];
	_ =	sdelay $0x4  }
0x62: {  	v5 =	vperm.xlane v4, v1;
	_ =	sdelay $0x1  }
0x63: {  	v4 =	vperm.xlane v4, v3;
	v5 =	vadd.s32 v2, v5;
	_ =	sdelay $0x1  }
0x64: {  	v4 =	vadd.s32 v2, v4;
	_ =	sdelay $0x1  }
0x65: {  	s9 =	simm.s32 $0x9700  }
0x66: {  	[tilespmem:s9], [sflag:$0x1] =	stream.indirect_vreg.gather [hbm4b:s6+s4], $0x80, v5, vm0, $0xb8;
	[tilespmem:$0x1EF80] =	vst v63  }
0x67: {  	s10 =	simm.s32 $0xA300  }
0x68: {  	[tilespmem:s10], [sflag:$0x1] =	stream.indirect_vreg.gather [hbm4b:s6+s4], $0x80, v4, vm0, $0xb8;
	[tilespmem:$0x1EF80] =	vst v63  }
0x69: {  	v4 =	vld [tilespmem:s1+$0x40];
	_ =	sdelay $0x4  }
0x6a: {  	v5 =	vperm.xlane v4, v1;
	_ =	sdelay $0x1  }
0x6b: {  	v4 =	vperm.xlane v4, v3;
	v5 =	vadd.s32 v2, v5;
	_ =	sdelay $0x1  }
0x6c: {  	v4 =	vadd.s32 v2, v4;
	_ =	sdelay $0x1  }
0x6d: {  	s11 =	simm.s32 $0xAF00  }
0x6e: {  	[tilespmem:s11], [sflag:$0x1] =	stream.indirect_vreg.gather [hbm4b:s6+s4], $0x80, v5, vm0, $0xb8;
	[tilespmem:$0x1EF80] =	vst v63  }
0x6f: {  	s13 =	simm.s32 $0xBB00  }
0x70: {  	[tilespmem:s13], [sflag:$0x1] =	stream.indirect_vreg.gather [hbm4b:s6+s4], $0x80, v4, vm0, $0xb8;
	[tilespmem:$0x1EF80] =	vst v63  }
0x71: {  	v4 =	vld [tilespmem:s1+$0x50];
	_ =	sdelay $0x4  }
0x72: {  	v5 =	vperm.xlane v4, v1;
	_ =	sdelay $0x1  }
0x73: {  	v4 =	vperm.xlane v4, v3;
	v5 =	vadd.s32 v2, v5;
	_ =	sdelay $0x1  }
0x74: {  	v4 =	vadd.s32 v2, v4;
	_ =	sdelay $0x1  }
0x75: {  	s3 =	simm.s32 $0xC700  }
0x76: {  	[tilespmem:s3], [sflag:$0x1] =	stream.indirect_vreg.gather [hbm4b:s6+s4], $0x80, v5, vm0, $0xb8;
	[tilespmem:$0x1EF80] =	vst v63  }
0x77: {  	s8 =	simm.s32 $0xD300  }
0x78: {  	[tilespmem:s8], [sflag:$0x1] =	stream.indirect_vreg.gather [hbm4b:s6+s4], $0x80, v4, vm0, $0xb8;
	[tilespmem:$0x1EF80] =	vst v63  }
0x79: {  	v4 =	vld.msk [tilespmem:s1+$0x60], $0xff;
	_ =	sdelay $0x4  }
0x7a: {  	v4 =	vperm.xlane v4, v1;
	_ =	sdelay $0x1  }
0x7b: {  	v4 =	vadd.s32 v2, v4;
	_ =	sdelay $0x3  }
0x7c: {  	s9 =	simm.s32 $0xDF00  }
0x7d: {  	[tilespmem:s9], [sflag:$0x1] =	stream.indirect_vreg.gather [hbm4b:s6+s4], $0x80, v4, vm0, $0xb8;
	[tilespmem:$0x1EF80] =	vst v63  }
0x7e: {  	v4 =	vld [tilespmem:s1+$0x2780];
	_ =	sdelay $0x4  }
0x7f: {  	v5 =	vperm.xlane v4, v1;
	_ =	sdelay $0x1  }
0x80: {  	v4 =	vperm.xlane v4, v3;
	v5 =	vadd.s32 v2, v5;
	_ =	sdelay $0x1  }
0x81: {  	v4 =	vadd.s32 v2, v4;
	_ =	sdelay $0x1  }
0x82: {  	s10 =	simm.s32 $0x5300  }
0x83: {  	[tilespmem:s10], [sflag:$0x2] =	stream.indirect_vreg.gather [hbm4b:s6+s4], $0x80, v5, vm0, $0xb8;
	[tilespmem:$0x1EF80] =	vst v63  }
0x84: {  	s11 =	simm.s32 $0x5F00  }
0x85: {  	[tilespmem:s11], [sflag:$0x2] =	stream.indirect_vreg.gather [hbm4b:s6+s4], $0x80, v4, vm0, $0xb8;
	[tilespmem:$0x1EF80] =	vst v63  }
0x86: {  	v4 =	vld [tilespmem:s1+$0x2790];
	_ =	sdelay $0x4  }
0x87: {  	v5 =	vperm.xlane v4, v1;
	_ =	sdelay $0x1  }
0x88: {  	v4 =	vperm.xlane v4, v3;
	v5 =	vadd.s32 v2, v5;
	_ =	sdelay $0x1  }
0x89: {  	v4 =	vadd.s32 v2, v4;
	_ =	sdelay $0x1  }
0x8a: {  	s13 =	simm.s32 $0x6B00  }
0x8b: {  	[tilespmem:s13], [sflag:$0x2] =	stream.indirect_vreg.gather [hbm4b:s6+s4], $0x80, v5, vm0, $0xb8;
	[tilespmem:$0x1EF80] =	vst v63  }
0x8c: {  	s3 =	simm.s32 $0x7700  }
0x8d: {  	[tilespmem:s3], [sflag:$0x2] =	stream.indirect_vreg.gather [hbm4b:s6+s4], $0x80, v4, vm0, $0xb8;
	[tilespmem:$0x1EF80] =	vst v63  }
0x8e: {  	v4 =	vld [tilespmem:s1+$0x27A0];
	_ =	sdelay $0x4  }
0x8f: {  	v5 =	vperm.xlane v4, v1;
	_ =	sdelay $0x1  }
0x90: {  	v4 =	vperm.xlane v4, v3;
	v5 =	vadd.s32 v2, v5;
	_ =	sdelay $0x1  }
0x91: {  	v4 =	vadd.s32 v2, v4;
	_ =	sdelay $0x1  }
0x92: {  	s8 =	simm.s32 $0x8300  }
0x93: {  	[tilespmem:s8], [sflag:$0x2] =	stream.indirect_vreg.gather [hbm4b:s6+s4], $0x80, v5, vm0, $0xb8;
	[tilespmem:$0x1EF80] =	vst v63  }
0x94: {  	s9 =	simm.s32 $0x8F00  }
0x95: {  	[tilespmem:s9], [sflag:$0x2] =	stream.indirect_vreg.gather [hbm4b:s6+s4], $0x80, v4, vm0, $0xb8;
	[tilespmem:$0x1EF80] =	vst v63  }
0x96: {  	v4 =	vld [tilespmem:s1+$0x27B0];
	_ =	sdelay $0x4  }
0x97: {  	v5 =	vperm.xlane v4, v1;
	_ =	sdelay $0x1  }
0x98: {  	v4 =	vperm.xlane v4, v3;
	v5 =	vadd.s32 v2, v5;
	_ =	sdelay $0x1  }
0x99: {  	v4 =	vadd.s32 v2, v4;
	_ =	sdelay $0x1  }
0x9a: {  	s10 =	simm.s32 $0x9B00  }
0x9b: {  	[tilespmem:s10], [sflag:$0x2] =	stream.indirect_vreg.gather [hbm4b:s6+s4], $0x80, v5, vm0, $0xb8;
	[tilespmem:$0x1EF80] =	vst v63  }
0x9c: {  	s11 =	simm.s32 $0xA700  }
0x9d: {  	[tilespmem:s11], [sflag:$0x2] =	stream.indirect_vreg.gather [hbm4b:s6+s4], $0x80, v4, vm0, $0xb8;
	[tilespmem:$0x1EF80] =	vst v63  }
0x9e: {  	v4 =	vld [tilespmem:s1+$0x27C0];
	_ =	sdelay $0x4  }
0x9f: {  	v5 =	vperm.xlane v4, v1;
	_ =	sdelay $0x1  }
0xa0: {  	v4 =	vperm.xlane v4, v3;
	v5 =	vadd.s32 v2, v5;
	_ =	sdelay $0x1  }
0xa1: {  	v4 =	vadd.s32 v2, v4;
	_ =	sdelay $0x1  }
0xa2: {  	s13 =	simm.s32 $0xB300  }
0xa3: {  	[tilespmem:s13], [sflag:$0x2] =	stream.indirect_vreg.gather [hbm4b:s6+s4], $0x80, v5, vm0, $0xb8;
	[tilespmem:$0x1EF80] =	vst v63  }
0xa4: {  	s3 =	simm.s32 $0xBF00  }
0xa5: {  	[tilespmem:s3], [sflag:$0x2] =	stream.indirect_vreg.gather [hbm4b:s6+s4], $0x80, v4, vm0, $0xb8;
	[tilespmem:$0x1EF80] =	vst v63  }
0xa6: {  	v4 =	vld [tilespmem:s1+$0x27D0];
	_ =	sdelay $0x4  }
0xa7: {  	v5 =	vperm.xlane v4, v1;
	_ =	sdelay $0x1  }
0xa8: {  	v4 =	vperm.xlane v4, v3;
	v5 =	vadd.s32 v2, v5;
	_ =	sdelay $0x1  }
0xa9: {  	v4 =	vadd.s32 v2, v4;
	_ =	sdelay $0x1  }
0xaa: {  	s8 =	simm.s32 $0xCB00  }
0xab: {  	[tilespmem:s8], [sflag:$0x2] =	stream.indirect_vreg.gather [hbm4b:s6+s4], $0x80, v5, vm0, $0xb8;
	[tilespmem:$0x1EF80] =	vst v63  }
0xac: {  	s9 =	simm.s32 $0xD700  }
0xad: {  	[tilespmem:s9], [sflag:$0x2] =	stream.indirect_vreg.gather [hbm4b:s6+s4], $0x80, v4, vm0, $0xb8;
	[tilespmem:$0x1EF80] =	vst v63  }
0xae: {  	v4 =	vld.msk [tilespmem:s1+$0x27E0], $0xff;
	_ =	sdelay $0x4  }
0xaf: {  	v4 =	vperm.xlane v4, v1;
	_ =	sdelay $0x1  }
0xb0: {  	v4 =	vadd.s32 v2, v4;
	_ =	sdelay $0x2  }
0xb1: {  	s30 =	sadd.s32 s5, s1  }
0xb2: {  	s10 =	simm.s32 $0xE300;
	s11 =	sshll.u32 s30, $0x4  }
0xb3: {  	[tilespmem:s10], [sflag:$0x2] =	stream.indirect_vreg.gather [hbm4b:s6+s4], $0x80, v4, vm0, $0xb8;
	[tilespmem:$0x1EF80] =	vst v63  }
0xb4: {  	s13 =	simm.s32 $0x18700;
	s1 =	sadd.s32 s0, s11  }
0xb5: {  	[tilespmem:s13], [sflag:$0x5] =	stream.linear.gather [hbm4b:s1+s4], $0x3400, $0x38;
	[tilespmem:$0x1EF80] =	vst v63  }
0xb6: {  	_ =	swait.ge [sflag:s12], $0x3400  }
0xb7: {  	[sflag:s12] =	ssyncset.done $0x0  }
0xb8: {  	[sflag:s12] =	ssyncadd.s32 $0xFFFFCC00  }
0xb9: {  	s3 =	simm.s32 $0x0;
	_ =	swait.ge [sflag:s17], $0x3400  }
0xba: {  	s1 =	smul.u32 $0x3000, s3;
	[sflag:s17] =	ssyncset.done $0x0  }
0xbb: {  	[sflag:s17] =	ssyncadd.s32 $0xFFFFCC00  }
0xbc: {  	s8 =	simm.s32 $0x0;
	s1 =	sshra.s32 s1, $0x2;
	_ =	swait.ge [sflag:s18], $0x3400  }
0xbd: {  	s2 =	sand.u32 $0x200, s8;
	s11 =	sadd.s32 $0x5300, s1;
	[sflag:s18] =	ssyncset.done $0x0  }
0xbe: {  	s3 =	sadd.s32 s2, s11;
	[sflag:s18] =	ssyncadd.s32 $0xFFFFCC00  }
0xbf: {  	v4 =	vld [tilespmem:s3+$0x0];
	_ =	sdelay $0x2  }
0xc0: {  	s13 =	sadd.s32 $0x5700, s1  }
0xc1: {  	s1 =	sadd.s32 $0x4F00, s1;
	s31 =	sadd.s32 s2, s13  }
0xc2: {  	s2 =	sadd.s32 s2, s1;
	[tilespmem:s31+$0x0] =	vst v4  }
0xc3: {  	v4 =	vld [tilespmem:s2+$0x0];
	_ =	sdelay $0x4  }
0xc4: {  	s31 =	simm.s32 $0x18800;
	[tilespmem:s3+$0x0] =	vst v4  }
0xc5: {  	v4 =	vld [tilespmem:s31+$0xFFFFFF00];
	_ =	sdelay $0x2  }
0xc6: {  	s9 =	simm.s32 $0x80  }
0xc7: {  	s3 =	sand.u32 $0x280, s9  }
0xc8: {  	s10 =	sadd.s32 s3, s11;
	[tilespmem:s2+$0x0] =	vst v4  }
0xc9: {  	v4 =	vld [tilespmem:s10+$0x0];
	_ =	sdelay $0x3  }
0xca: {  	s8 =	sadd.s32 s3, s13  }
0xcb: {  	s3 =	sadd.s32 s3, s1;
	[tilespmem:s8+$0x0] =	vst v4  }
0xcc: {  	v4 =	vld [tilespmem:s3+$0x0];
	_ =	sdelay $0x4  }
0xcd: {  	[tilespmem:s10+$0x0] =	vst v4  }
0xce: {  	v4 =	vld [tilespmem:s31+$0xFFFFFF80];
	_ =	sdelay $0x2  }
0xcf: {  	s9 =	simm.s32 $0x100  }
0xd0: {  	s2 =	sand.u32 $0x300, s9  }
0xd1: {  	s10 =	sadd.s32 s2, s11;
	[tilespmem:s3+$0x0] =	vst v4  }
0xd2: {  	v4 =	vld [tilespmem:s10+$0x0];
	_ =	sdelay $0x3  }
0xd3: {  	s9 =	sadd.s32 s2, s13  }
0xd4: {  	s2 =	sadd.s32 s2, s1;
	[tilespmem:s9+$0x0] =	vst v4  }
0xd5: {  	v4 =	vld [tilespmem:s2+$0x0];
	_ =	sdelay $0x4  }
0xd6: {  	[tilespmem:s10+$0x0] =	vst v4  }
0xd7: {  	v4 =	vld [tilespmem:s31+$0x0];
	_ =	sdelay $0x2  }
0xd8: {  	s3 =	simm.s32 $0x180  }
0xd9: {  	s10 =	sand.u32 $0x380, s3  }
0xda: {  	[tilespmem:s2+$0x0] =	vst v4;
	s2 =	sadd.s32 s10, s11  }
0xdb: {  	v4 =	vld [tilespmem:s2+$0x0];
	_ =	sdelay $0x3  }
0xdc: {  	s13 =	sadd.s32 s10, s13  }
0xdd: {  	s11 =	sadd.s32 s10, s1;
	[tilespmem:s13+$0x0] =	vst v4  }
0xde: {  	s1 =	simm.s32 $0x0;
	v4 =	vld [tilespmem:s11+$0x0]  }
.LBB2_5:
0xdf: {  	_ =	sdelay $0x3  }
0xe0: {  	s1 =	sadd.s32 $0x4, s1;
	[tilespmem:s2+$0x0] =	vst v4  }
0xe1: {  	p0 =	slt.u32 s1, $0x64;
	s2 =	sshrl.u32 s1, $0x3;
	v4 =	vld [tilespmem:s31+$0x80]  }
0xe2: {  	s2 =	smul.u32 $0x3000, s2  }
0xe3: {  	s3 =	sadd.s32 $0x200, s3  }
0xe4: {  	s8 =	sadd.s32 $0xFFFFFE80, s3;
	s9 =	sshra.s32 s2, $0x2  }
0xe5: {  	s8 =	sand.u32 $0x200, s8;
	s2 =	sadd.s32 $0x5300, s9  }
0xe6: {  	s10 =	sadd.s32 s8, s2;
	[tilespmem:s11+$0x0] =	vst v4  }
0xe7: {  	v4 =	vld [tilespmem:s10+$0x0];
	_ =	sdelay $0x2  }
0xe8: {  	s13 =	sadd.s32 $0x5700, s9  }
0xe9: {  	s11 =	sadd.s32 $0x4F00, s9;
	s9 =	sadd.s32 s8, s13  }
0xea: {  	s8 =	sadd.s32 s8, s11;
	[tilespmem:s9+$0x0] =	vst v4  }
0xeb: {  	v4 =	vld [tilespmem:s8+$0x0];
	_ =	sdelay $0x4  }
0xec: {  	s31 =	sadd.s32 $0x200, s31;
	[tilespmem:s10+$0x0] =	vst v4  }
0xed: {  	v4 =	vld [tilespmem:s31+$0xFFFFFF00];
	_ =	sdelay $0x2  }
0xee: {  	s9 =	sadd.s32 $0xFFFFFF00, s3  }
0xef: {  	s9 =	sand.u32 $0x280, s9  }
0xf0: {  	[tilespmem:s8+$0x0] =	vst v4;
	s8 =	sadd.s32 s9, s2  }
0xf1: {  	v4 =	vld [tilespmem:s8+$0x0];
	_ =	sdelay $0x3  }
0xf2: {  	s10 =	sadd.s32 s9, s13  }
0xf3: {  	s9 =	sadd.s32 s9, s11;
	[tilespmem:s10+$0x0] =	vst v4  }
0xf4: {  	v4 =	vld [tilespmem:s9+$0x0];
	_ =	sdelay $0x4  }
0xf5: {  	[tilespmem:s8+$0x0] =	vst v4  }
0xf6: {  	v4 =	vld [tilespmem:s31+$0xFFFFFF80];
	_ =	sdelay $0x2  }
0xf7: {  	s8 =	sadd.s32 $0xFFFFFF80, s3  }
0xf8: {  	s8 =	sand.u32 $0x300, s8  }
0xf9: {  	[tilespmem:s9+$0x0] =	vst v4;
	s9 =	sadd.s32 s8, s2  }
0xfa: {  	v4 =	vld [tilespmem:s9+$0x0];
	_ =	sdelay $0x3  }
0xfb: {  	s10 =	sadd.s32 s8, s13  }
0xfc: {  	s8 =	sadd.s32 s8, s11;
	[tilespmem:s10+$0x0] =	vst v4  }
0xfd: {  	v4 =	vld [tilespmem:s8+$0x0];
	_ =	sdelay $0x4  }
0xfe: {  	[tilespmem:s9+$0x0] =	vst v4  }
0xff: {  	v4 =	vld [tilespmem:s31+$0x0];
	_ =	sdelay $0x3  }
0x100: {  	s9 =	sand.u32 $0x380, s3  }
0x101: {  	s2 =	sadd.s32 s9, s2;
	[tilespmem:s8+$0x0] =	vst v4  }
0x102: {  	v4 =	vld [tilespmem:s2+$0x0];
	_ =	sdelay $0x1  }
.Ltmp1:
0x103: {  	(pc) =	sbr.rel @p0 .LBB2_5-.Ltmp1, $4  }
0x104: {  	_ = 	snop  }
0x105: {  	s8 =	sadd.s32 s9, s13  }
0x106: {  	s11 =	sadd.s32 s9, s11;
	[tilespmem:s8+$0x0] =	vst v4  }
0x107: {  	v4 =	vld [tilespmem:s11+$0x0]  }
0x108: {  	_ =	sdelay $0x3  }
0x109: {  	[tilespmem:s2+$0x0] =	vst v4  }
0x10a: {  	v4 =	vld [tilespmem:s31+$0x80];
	_ =	sdelay $0x1  }
0x10b: {  	s1 =	sshrl.u32 s30, $0x3  }
0x10c: {  	s1 =	smul.u32 $0x180, s1;
	_ =	sdelay $0x1  }
0x10d: {  	s1 =	sadd.s32 s7, s1;
	[tilespmem:s11+$0x0] =	vst v4  }
0x10e: {  	[hbm4b:s1+s4] =	stream.linear.scatter [tilespmem:s14], [sflag:$0x3], $0x9C00, $0x38;
	[tilespmem:$0x1EF80] =	vst v63  }
0x10f: {  	s1 =	smin.u32 s29, $0x2640  }
0x110: {  	v4 =	vld [tilespmem:s1+$0x68];
	_ =	sdelay $0x4  }
0x111: {  	v5 =	vperm.xlane v4, v1;
	_ =	sdelay $0x1  }
0x112: {  	v4 =	vperm.xlane v4, v3;
	v5 =	vadd.s32 v2, v5;
	_ =	sdelay $0x1  }
0x113: {  	v4 =	vadd.s32 v2, v4;
	_ =	sdelay $0x2  }
0x114: {  	[tilespmem:s19], [sflag:$0x1] =	stream.indirect_vreg.gather [hbm4b:s6+s4], $0x80, v5, vm0, $0xb8;
	[tilespmem:$0x1EF80] =	vst v63  }
0x115: {  	s13 =	simm.s32 $0xF700  }
0x116: {  	[tilespmem:s13], [sflag:$0x1] =	stream.indirect_vreg.gather [hbm4b:s6+s4], $0x80, v4, vm0, $0xb8;
	[tilespmem:$0x1EF80] =	vst v63  }
0x117: {  	v4 =	vld [tilespmem:s1+$0x78];
	_ =	sdelay $0x4  }
0x118: {  	v5 =	vperm.xlane v4, v1;
	_ =	sdelay $0x1  }
0x119: {  	v4 =	vperm.xlane v4, v3;
	v5 =	vadd.s32 v2, v5;
	_ =	sdelay $0x1  }
0x11a: {  	v4 =	vadd.s32 v2, v4;
	_ =	sdelay $0x1  }
0x11b: {  	s31 =	simm.s32 $0x10300  }
0x11c: {  	[tilespmem:s31], [sflag:$0x1] =	stream.indirect_vreg.gather [hbm4b:s6+s4], $0x80, v5, vm0, $0xb8;
	[tilespmem:$0x1EF80] =	vst v63  }
0x11d: {  	s3 =	simm.s32 $0x10F00  }
0x11e: {  	[tilespmem:s3], [sflag:$0x1] =	stream.indirect_vreg.gather [hbm4b:s6+s4], $0x80, v4, vm0, $0xb8;
	[tilespmem:$0x1EF80] =	vst v63  }
0x11f: {  	v4 =	vld [tilespmem:s1+$0x88];
	_ =	sdelay $0x4  }
0x120: {  	v5 =	vperm.xlane v4, v1;
	_ =	sdelay $0x1  }
0x121: {  	v4 =	vperm.xlane v4, v3;
	v5 =	vadd.s32 v2, v5;
	_ =	sdelay $0x1  }
0x122: {  	v4 =	vadd.s32 v2, v4;
	_ =	sdelay $0x1  }
0x123: {  	s8 =	simm.s32 $0x11B00  }
0x124: {  	[tilespmem:s8], [sflag:$0x1] =	stream.indirect_vreg.gather [hbm4b:s6+s4], $0x80, v5, vm0, $0xb8;
	[tilespmem:$0x1EF80] =	vst v63  }
0x125: {  	s9 =	simm.s32 $0x12700  }
0x126: {  	[tilespmem:s9], [sflag:$0x1] =	stream.indirect_vreg.gather [hbm4b:s6+s4], $0x80, v4, vm0, $0xb8;
	[tilespmem:$0x1EF80] =	vst v63  }
0x127: {  	v4 =	vld [tilespmem:s1+$0x98];
	_ =	sdelay $0x4  }
0x128: {  	v5 =	vperm.xlane v4, v1;
	_ =	sdelay $0x1  }
0x129: {  	v4 =	vperm.xlane v4, v3;
	v5 =	vadd.s32 v2, v5;
	_ =	sdelay $0x1  }
0x12a: {  	v4 =	vadd.s32 v2, v4;
	_ =	sdelay $0x1  }
0x12b: {  	s10 =	simm.s32 $0x13300  }
0x12c: {  	[tilespmem:s10], [sflag:$0x1] =	stream.indirect_vreg.gather [hbm4b:s6+s4], $0x80, v5, vm0, $0xb8;
	[tilespmem:$0x1EF80] =	vst v63  }
0x12d: {  	s11 =	simm.s32 $0x13F00  }
0x12e: {  	[tilespmem:s11], [sflag:$0x1] =	stream.indirect_vreg.gather [hbm4b:s6+s4], $0x80, v4, vm0, $0xb8;
	[tilespmem:$0x1EF80] =	vst v63  }
0x12f: {  	v4 =	vld [tilespmem:s1+$0xA8];
	_ =	sdelay $0x4  }
0x130: {  	v5 =	vperm.xlane v4, v1;
	_ =	sdelay $0x1  }
0x131: {  	v4 =	vperm.xlane v4, v3;
	v5 =	vadd.s32 v2, v5;
	_ =	sdelay $0x1  }
0x132: {  	v4 =	vadd.s32 v2, v4;
	_ =	sdelay $0x1  }
0x133: {  	s13 =	simm.s32 $0x14B00  }
0x134: {  	[tilespmem:s13], [sflag:$0x1] =	stream.indirect_vreg.gather [hbm4b:s6+s4], $0x80, v5, vm0, $0xb8;
	[tilespmem:$0x1EF80] =	vst v63  }
0x135: {  	s31 =	simm.s32 $0x15700  }
0x136: {  	[tilespmem:s31], [sflag:$0x1] =	stream.indirect_vreg.gather [hbm4b:s6+s4], $0x80, v4, vm0, $0xb8;
	[tilespmem:$0x1EF80] =	vst v63  }
0x137: {  	v4 =	vld [tilespmem:s1+$0xB8];
	_ =	sdelay $0x4  }
0x138: {  	v5 =	vperm.xlane v4, v1;
	_ =	sdelay $0x1  }
0x139: {  	v4 =	vperm.xlane v4, v3;
	v5 =	vadd.s32 v2, v5;
	_ =	sdelay $0x1  }
0x13a: {  	v4 =	vadd.s32 v2, v4;
	_ =	sdelay $0x1  }
0x13b: {  	s3 =	simm.s32 $0x16300  }
0x13c: {  	[tilespmem:s3], [sflag:$0x1] =	stream.indirect_vreg.gather [hbm4b:s6+s4], $0x80, v5, vm0, $0xb8;
	[tilespmem:$0x1EF80] =	vst v63  }
0x13d: {  	s8 =	simm.s32 $0x16F00  }
0x13e: {  	[tilespmem:s8], [sflag:$0x1] =	stream.indirect_vreg.gather [hbm4b:s6+s4], $0x80, v4, vm0, $0xb8;
	[tilespmem:$0x1EF80] =	vst v63  }
0x13f: {  	v4 =	vld.msk [tilespmem:s1+$0xC8], $0xff;
	_ =	sdelay $0x4  }
0x140: {  	v4 =	vperm.xlane v4, v1;
	_ =	sdelay $0x1  }
0x141: {  	v4 =	vadd.s32 v2, v4;
	_ =	sdelay $0x3  }
0x142: {  	s9 =	simm.s32 $0x17B00  }
0x143: {  	[tilespmem:s9], [sflag:$0x1] =	stream.indirect_vreg.gather [hbm4b:s6+s4], $0x80, v4, vm0, $0xb8;
	[tilespmem:$0x1EF80] =	vst v63  }
0x144: {  	v4 =	vld [tilespmem:s1+$0x27E8];
	_ =	sdelay $0x4  }
0x145: {  	v5 =	vperm.xlane v4, v1;
	_ =	sdelay $0x1  }
0x146: {  	v4 =	vperm.xlane v4, v3;
	v5 =	vadd.s32 v2, v5;
	_ =	sdelay $0x1  }
0x147: {  	v4 =	vadd.s32 v2, v4;
	_ =	sdelay $0x1  }
0x148: {  	s10 =	simm.s32 $0xEF00  }
0x149: {  	[tilespmem:s10], [sflag:$0x2] =	stream.indirect_vreg.gather [hbm4b:s6+s4], $0x80, v5, vm0, $0xb8;
	[tilespmem:$0x1EF80] =	vst v63  }
0x14a: {  	s11 =	simm.s32 $0xFB00  }
0x14b: {  	[tilespmem:s11], [sflag:$0x2] =	stream.indirect_vreg.gather [hbm4b:s6+s4], $0x80, v4, vm0, $0xb8;
	[tilespmem:$0x1EF80] =	vst v63  }
0x14c: {  	v4 =	vld [tilespmem:s1+$0x27F8];
	_ =	sdelay $0x4  }
0x14d: {  	v5 =	vperm.xlane v4, v1;
	_ =	sdelay $0x1  }
0x14e: {  	v4 =	vperm.xlane v4, v3;
	v5 =	vadd.s32 v2, v5;
	_ =	sdelay $0x1  }
0x14f: {  	v4 =	vadd.s32 v2, v4;
	_ =	sdelay $0x1  }
0x150: {  	s13 =	simm.s32 $0x10700  }
0x151: {  	[tilespmem:s13], [sflag:$0x2] =	stream.indirect_vreg.gather [hbm4b:s6+s4], $0x80, v5, vm0, $0xb8;
	[tilespmem:$0x1EF80] =	vst v63  }
0x152: {  	s31 =	simm.s32 $0x11300  }
0x153: {  	[tilespmem:s31], [sflag:$0x2] =	stream.indirect_vreg.gather [hbm4b:s6+s4], $0x80, v4, vm0, $0xb8;
	[tilespmem:$0x1EF80] =	vst v63  }
0x154: {  	v4 =	vld [tilespmem:s1+$0x2808];
	_ =	sdelay $0x4  }
0x155: {  	v5 =	vperm.xlane v4, v1;
	_ =	sdelay $0x1  }
0x156: {  	v4 =	vperm.xlane v4, v3;
	v5 =	vadd.s32 v2, v5;
	_ =	sdelay $0x1  }
0x157: {  	v4 =	vadd.s32 v2, v4;
	_ =	sdelay $0x1  }
0x158: {  	s3 =	simm.s32 $0x11F00  }
0x159: {  	[tilespmem:s3], [sflag:$0x2] =	stream.indirect_vreg.gather [hbm4b:s6+s4], $0x80, v5, vm0, $0xb8;
	[tilespmem:$0x1EF80] =	vst v63  }
0x15a: {  	s8 =	simm.s32 $0x12B00  }
0x15b: {  	[tilespmem:s8], [sflag:$0x2] =	stream.indirect_vreg.gather [hbm4b:s6+s4], $0x80, v4, vm0, $0xb8;
	[tilespmem:$0x1EF80] =	vst v63  }
0x15c: {  	v4 =	vld [tilespmem:s1+$0x2818];
	_ =	sdelay $0x4  }
0x15d: {  	v5 =	vperm.xlane v4, v1;
	_ =	sdelay $0x1  }
0x15e: {  	v4 =	vperm.xlane v4, v3;
	v5 =	vadd.s32 v2, v5;
	_ =	sdelay $0x1  }
0x15f: {  	v4 =	vadd.s32 v2, v4;
	_ =	sdelay $0x1  }
0x160: {  	s9 =	simm.s32 $0x13700  }
0x161: {  	[tilespmem:s9], [sflag:$0x2] =	stream.indirect_vreg.gather [hbm4b:s6+s4], $0x80, v5, vm0, $0xb8;
	[tilespmem:$0x1EF80] =	vst v63  }
0x162: {  	_ = 	snop  }
0x163: {  	[tilespmem:s15], [sflag:$0x2] =	stream.indirect_vreg.gather [hbm4b:s6+s4], $0x80, v4, vm0, $0xb8;
	[tilespmem:$0x1EF80] =	vst v63  }
0x164: {  	v4 =	vld [tilespmem:s1+$0x2828];
	_ =	sdelay $0x4  }
0x165: {  	v5 =	vperm.xlane v4, v1;
	_ =	sdelay $0x1  }
0x166: {  	v4 =	vperm.xlane v4, v3;
	v5 =	vadd.s32 v2, v5;
	_ =	sdelay $0x1  }
0x167: {  	v4 =	vadd.s32 v2, v4;
	_ =	sdelay $0x2  }
0x168: {  	[tilespmem:s16], [sflag:$0x2] =	stream.indirect_vreg.gather [hbm4b:s6+s4], $0x80, v5, vm0, $0xb8;
	[tilespmem:$0x1EF80] =	vst v63  }
0x169: {  	_ = 	snop  }
0x16a: {  	[tilespmem:s20], [sflag:$0x2] =	stream.indirect_vreg.gather [hbm4b:s6+s4], $0x80, v4, vm0, $0xb8;
	[tilespmem:$0x1EF80] =	vst v63  }
0x16b: {  	v4 =	vld [tilespmem:s1+$0x2838];
	_ =	sdelay $0x4  }
0x16c: {  	v5 =	vperm.xlane v4, v1;
	_ =	sdelay $0x1  }
0x16d: {  	v4 =	vperm.xlane v4, v3;
	v5 =	vadd.s32 v2, v5;
	_ =	sdelay $0x1  }
0x16e: {  	v4 =	vadd.s32 v2, v4;
	_ =	sdelay $0x2  }
0x16f: {  	[tilespmem:s21], [sflag:$0x2] =	stream.indirect_vreg.gather [hbm4b:s6+s4], $0x80, v5, vm0, $0xb8;
	[tilespmem:$0x1EF80] =	vst v63  }
0x170: {  	_ = 	snop  }
0x171: {  	[tilespmem:s22], [sflag:$0x2] =	stream.indirect_vreg.gather [hbm4b:s6+s4], $0x80, v4, vm0, $0xb8;
	[tilespmem:$0x1EF80] =	vst v63  }
0x172: {  	v4 =	vld.msk [tilespmem:s1+$0x2848], $0xff;
	_ =	sdelay $0x4  }
0x173: {  	v4 =	vperm.xlane v4, v1;
	_ =	sdelay $0x1  }
0x174: {  	v4 =	vadd.s32 v2, v4;
	_ =	sdelay $0x1  }
0x175: {  	s1 =	sadd.s32 $0x68, s1  }
0x176: {  	s29 =	sadd.s32 s5, s1  }
0x177: {  	s1 =	sshll.u32 s29, $0x4  }
0x178: {  	[tilespmem:s23], [sflag:$0x2] =	stream.indirect_vreg.gather [hbm4b:s6+s4], $0x80, v4, vm0, $0xb8;
	[tilespmem:$0x1EF80] =	vst v63  }
0x179: {  	s1 =	sadd.s32 s0, s1  }
0x17a: {  	[tilespmem:s24], [sflag:$0x5] =	stream.linear.gather [hbm4b:s1+s4], $0x3400, $0x38;
	[tilespmem:$0x1EF80] =	vst v63  }
0x17b: {  	_ =	swait.ge [sflag:s12], $0x3400  }
0x17c: {  	[sflag:s12] =	ssyncset.done $0x0  }
0x17d: {  	[sflag:s12] =	ssyncadd.s32 $0xFFFFCC00  }
0x17e: {  	_ =	swait.ge [sflag:s25], $0x9C00  }
0x17f: {  	[sflag:s25] =	ssyncset.done $0x0  }
0x180: {  	[sflag:s25] =	ssyncadd.s32 $0xFFFF6400  }
0x181: {  	s10 =	simm.s32 $0x0;
	_ =	swait.ge [sflag:s17], $0x3400  }
0x182: {  	s1 =	smul.u32 $0x3000, s10;
	[sflag:s17] =	ssyncset.done $0x0  }
0x183: {  	[sflag:s17] =	ssyncadd.s32 $0xFFFFCC00  }
0x184: {  	s11 =	simm.s32 $0x0;
	s1 =	sshra.s32 s1, $0x2;
	_ =	swait.ge [sflag:s18], $0x3400  }
0x185: {  	s2 =	sand.u32 $0x200, s11;
	s8 =	sadd.s32 $0xEF00, s1;
	[sflag:s18] =	ssyncset.done $0x0  }
0x186: {  	s3 =	sadd.s32 s2, s8;
	[sflag:s18] =	ssyncadd.s32 $0xFFFFCC00  }
0x187: {  	v4 =	vld [tilespmem:s3+$0x0];
	_ =	sdelay $0x2  }
0x188: {  	s9 =	sadd.s32 $0xF300, s1  }
0x189: {  	s1 =	sadd.s32 $0xEB00, s1;
	s10 =	sadd.s32 s2, s9  }
0x18a: {  	s2 =	sadd.s32 s2, s1;
	[tilespmem:s10+$0x0] =	vst v4  }
0x18b: {  	v4 =	vld [tilespmem:s2+$0x0];
	_ =	sdelay $0x4  }
0x18c: {  	s30 =	simm.s32 $0x1BC00;
	[tilespmem:s3+$0x0] =	vst v4  }
0x18d: {  	v4 =	vld [tilespmem:s30+$0xFFFFFF00];
	_ =	sdelay $0x2  }
0x18e: {  	s13 =	simm.s32 $0x80  }
0x18f: {  	s3 =	sand.u32 $0x280, s13  }
0x190: {  	s31 =	sadd.s32 s3, s8;
	[tilespmem:s2+$0x0] =	vst v4  }
0x191: {  	v4 =	vld [tilespmem:s31+$0x0];
	_ =	sdelay $0x3  }
0x192: {  	s11 =	sadd.s32 s3, s9  }
0x193: {  	s3 =	sadd.s32 s3, s1;
	[tilespmem:s11+$0x0] =	vst v4  }
0x194: {  	v4 =	vld [tilespmem:s3+$0x0];
	_ =	sdelay $0x4  }
0x195: {  	[tilespmem:s31+$0x0] =	vst v4  }
0x196: {  	v4 =	vld [tilespmem:s30+$0xFFFFFF80];
	_ =	sdelay $0x2  }
0x197: {  	s13 =	simm.s32 $0x100  }
0x198: {  	s2 =	sand.u32 $0x300, s13  }
0x199: {  	s31 =	sadd.s32 s2, s8;
	[tilespmem:s3+$0x0] =	vst v4  }
0x19a: {  	v4 =	vld [tilespmem:s31+$0x0];
	_ =	sdelay $0x3  }
0x19b: {  	s11 =	sadd.s32 s2, s9  }
0x19c: {  	s2 =	sadd.s32 s2, s1;
	[tilespmem:s11+$0x0] =	vst v4  }
0x19d: {  	v4 =	vld [tilespmem:s2+$0x0];
	_ =	sdelay $0x4  }
0x19e: {  	[tilespmem:s31+$0x0] =	vst v4  }
0x19f: {  	v4 =	vld [tilespmem:s30+$0x0];
	_ =	sdelay $0x2  }
0x1a0: {  	s3 =	simm.s32 $0x180  }
0x1a1: {  	s13 =	sand.u32 $0x380, s3  }
0x1a2: {  	[tilespmem:s2+$0x0] =	vst v4;
	s2 =	sadd.s32 s13, s8  }
0x1a3: {  	v4 =	vld [tilespmem:s2+$0x0];
	_ =	sdelay $0x3  }
0x1a4: {  	s31 =	sadd.s32 s13, s9  }
0x1a5: {  	s11 =	sadd.s32 s13, s1;
	[tilespmem:s31+$0x0] =	vst v4  }
0x1a6: {  	s1 =	simm.s32 $0x0;
	v4 =	vld [tilespmem:s11+$0x0]  }
.LBB2_7:
0x1a7: {  	_ =	sdelay $0x3  }
0x1a8: {  	s1 =	sadd.s32 $0x4, s1;
	[tilespmem:s2+$0x0] =	vst v4  }
0x1a9: {  	p0 =	slt.u32 s1, $0x64;
	s2 =	sshrl.u32 s1, $0x3;
	v4 =	vld [tilespmem:s30+$0x80]  }
0x1aa: {  	s2 =	smul.u32 $0x3000, s2  }
0x1ab: {  	s3 =	sadd.s32 $0x200, s3  }
0x1ac: {  	s8 =	sadd.s32 $0xFFFFFE80, s3;
	s9 =	sshra.s32 s2, $0x2  }
0x1ad: {  	s8 =	sand.u32 $0x200, s8;
	s2 =	sadd.s32 $0xEF00, s9  }
0x1ae: {  	s10 =	sadd.s32 s8, s2;
	[tilespmem:s11+$0x0] =	vst v4  }
0x1af: {  	v4 =	vld [tilespmem:s10+$0x0];
	_ =	sdelay $0x2  }
0x1b0: {  	s13 =	sadd.s32 $0xF300, s9  }
0x1b1: {  	s11 =	sadd.s32 $0xEB00, s9;
	s9 =	sadd.s32 s8, s13  }
0x1b2: {  	s8 =	sadd.s32 s8, s11;
	[tilespmem:s9+$0x0] =	vst v4  }
0x1b3: {  	v4 =	vld [tilespmem:s8+$0x0];
	_ =	sdelay $0x4  }
0x1b4: {  	s30 =	sadd.s32 $0x200, s30;
	[tilespmem:s10+$0x0] =	vst v4  }
0x1b5: {  	v4 =	vld [tilespmem:s30+$0xFFFFFF00];
	_ =	sdelay $0x2  }
0x1b6: {  	s9 =	sadd.s32 $0xFFFFFF00, s3  }
0x1b7: {  	s9 =	sand.u32 $0x280, s9  }
0x1b8: {  	[tilespmem:s8+$0x0] =	vst v4;
	s8 =	sadd.s32 s9, s2  }
0x1b9: {  	v4 =	vld [tilespmem:s8+$0x0];
	_ =	sdelay $0x3  }
0x1ba: {  	s10 =	sadd.s32 s9, s13  }
0x1bb: {  	s9 =	sadd.s32 s9, s11;
	[tilespmem:s10+$0x0] =	vst v4  }
0x1bc: {  	v4 =	vld [tilespmem:s9+$0x0];
	_ =	sdelay $0x4  }
0x1bd: {  	[tilespmem:s8+$0x0] =	vst v4  }
0x1be: {  	v4 =	vld [tilespmem:s30+$0xFFFFFF80];
	_ =	sdelay $0x2  }
0x1bf: {  	s8 =	sadd.s32 $0xFFFFFF80, s3  }
0x1c0: {  	s8 =	sand.u32 $0x300, s8  }
0x1c1: {  	[tilespmem:s9+$0x0] =	vst v4;
	s9 =	sadd.s32 s8, s2  }
0x1c2: {  	v4 =	vld [tilespmem:s9+$0x0];
	_ =	sdelay $0x3  }
0x1c3: {  	s10 =	sadd.s32 s8, s13  }
0x1c4: {  	s8 =	sadd.s32 s8, s11;
	[tilespmem:s10+$0x0] =	vst v4  }
0x1c5: {  	v4 =	vld [tilespmem:s8+$0x0];
	_ =	sdelay $0x4  }
0x1c6: {  	[tilespmem:s9+$0x0] =	vst v4  }
0x1c7: {  	v4 =	vld [tilespmem:s30+$0x0];
	_ =	sdelay $0x3  }
0x1c8: {  	s9 =	sand.u32 $0x380, s3  }
0x1c9: {  	s2 =	sadd.s32 s9, s2;
	[tilespmem:s8+$0x0] =	vst v4  }
0x1ca: {  	v4 =	vld [tilespmem:s2+$0x0];
	_ =	sdelay $0x1  }
.Ltmp2:
0x1cb: {  	(pc) =	sbr.rel @p0 .LBB2_7-.Ltmp2, $4  }
0x1cc: {  	_ = 	snop  }
0x1cd: {  	s8 =	sadd.s32 s9, s13  }
0x1ce: {  	s11 =	sadd.s32 s9, s11;
	[tilespmem:s8+$0x0] =	vst v4  }
0x1cf: {  	v4 =	vld [tilespmem:s11+$0x0]  }
0x1d0: {  	_ =	sdelay $0x3  }
0x1d1: {  	[tilespmem:s2+$0x0] =	vst v4  }
0x1d2: {  	v4 =	vld [tilespmem:s30+$0x80];
	_ =	sdelay $0x1  }
0x1d3: {  	s1 =	sshrl.u32 s29, $0x3  }
0x1d4: {  	s28 =	sadd.s32 $0x1, s28;
	s1 =	smul.u32 $0x180, s1  }
0x1d5: {  	p0 =	sne.s32 s28, $0x31  }
.Ltmp3:
0x1d6: {  	s1 =	sadd.s32 s7, s1;
	[tilespmem:s11+$0x0] =	vst v4;
	(pc) =	sbr.rel @p0 .LBB2_4-.Ltmp3, $4  }
0x1d7: {  	[hbm4b:s1+s4] =	stream.linear.scatter [tilespmem:s19], [sflag:$0x4], $0x9C00, $0x38;
	[tilespmem:$0x1EF80] =	vst v63  }
0x1d8: {  	_ =	swait.ge [sflag:s26], $0x9C00  }
0x1d9: {  	[sflag:s26] =	ssyncset.done $0x0  }
0x1da: {  	[sflag:s26] =	ssyncadd.s32 $0xFFFF6400  }
0x1db: {  	s2 =	rddreg [dreg:$0x9]  }
0x1dc: {  	s1 =	rddreg [dreg:$0x8];
	s2 =	sadd.s32 $0x1, s2  }
0x1dd: {  	p0 =	sne.s32 s2, s1  }
.Ltmp4:
0x1de: {  	_ = 	snop;
	(pc) =	sbr.rel @p0 .LBB2_1-.Ltmp4, $1  }
0x1df: {  	_ =	sdelay $0x3  }
0x1e0: {  	_ =	sfence.sel $0x180000  }
0x1e1: {  	[bflag:$0x0] =	sbarrier.arrive $0xFFFF  }
0x1e2: {  	_ =	strace $0x90000047  }
0x1e3: {  	s0 =	stileid.u32;
	[bflag:$0x2] =	sbarrier.arrive $0xFFFF  }
0x1e4: {  	p0 =	sne.s32 s0, $0x0;
	s0 =	rddreg [dreg:$0x5]  }
0x1e5: {  	s0 =	sadd.s32 @!p0 $0x100000, s0  }
0x1e6: {  	[sflag:s0] =	ssyncadd.tile.s32 @!p0 $0x1;
	_ =	shalt  }
.Lfunc_end2:
_tile_overlayer_lowered:
.L_overlay_start_2:
0x1e7: {  	(tag) =	ssettag $0x2  }
0x1e8: {  	s0 =	rddreg [dreg:$0x0];
	s2 =	stileid.u32  }
0x1e9: {  	s1 =	rddreg [dreg:$0x1];
	p0 =	sne.s32 s2, $0x0  }
0x1ea: {  	s3 =	rddreg [dreg:$0x2];
	[bflag:$0x3] =	sbarrier.arrive $0xFFFF;
	s2 =	simm.s32 @!p0 $0x1C05  }
0x1eb: {  	[timem:s3], [sflag:s2] =	dma.local @!p0 [hbm:s0], s1  }
0x1ec: {  	s0 =	simm.s32 @!p0 $0x5  }
0x1ed: {  	_ =	swait.ge @!p0 [sflag:s0], s1  }
0x1ee: {  	s1 =	ssub.s32 @!p0 $0x0, s1;
	[sflag:s0] =	ssyncset.done @!p0 $0x0  }
0x1ef: {  	[sflag:s0] =	ssyncadd.s32 @!p0 s1  }
0x1f0: {  	[bflag:$0x3] =	sbarrier.arrive $0xFFFF  }
0x1f1: {  	_ =	shalt  }

// kernel: sparse-core-data-format-call.cloned.1.call-start
scs
called_computation_lowered:
.L_overlay_start_0:
0x0: {  	s2 =	sld [smem:$0x3FD9]  }
0x1: {  	s3 =	sld [smem:$0x3FFE];
	_ =	sdelay $0x1  }
0x2: {  	s1 =	srdreg.scid  }
0x3: {  	s0 =	sand.u32 $0x1, s1  }
0x4: {  	s18 =	sshll.u32 s0, $0xA;
	s2 =	sadd.s32 s3, s2  }
0x5: {  	s2 =	sadd.s32 s2, s18  }
0x6: {  	[smem:$0x3FC3] =	sst s2  }
0x7: {  	_ = 	snop  }
0x8: {  	s2 =	sld [smem:$0x3FD0];
	(tm) =	ssettm $0x1  }
0x9: {  	s19 =	sld [smem:$0x3FFB];
	_ =	sdelay $0x3  }
0xa: {  	_ =	strace s19  }
0xb: {  	s3 =	sld [smem:$0x3FFC];
	_ =	sdelay $0x3  }
0xc: {  	_ =	strace s3  }
0xd: {  	s3 =	sld [smem:$0x3FFD];
	_ =	sdelay $0x3  }
0xe: {  	_ =	strace s3  }
0xf: {  	_ =	strace $0x8FFFFFFF  }
0x10: {  	s20 =	sld [smem:$0x3FDB];
	_ =	sdelay $0x1  }
0x11: {  	s4 =	simm.s32 $_scs_section_size  }
0x12: {  	s5 =	simm.s32 $_size__tile_overlayer_lowered;
	s6 =	simm.s32 $_tile_overlayer_lowered  }
0x13: {  	s23 =	simm.s32 $0x1BFF;
	s22 =	sshll.u32 s6, $0x1;
	s3 =	sadd.s32 s4, s20  }
0x14: {  	s7 =	simm.s32 $0x0;
	s21 =	sshll.u32 s5, $0x1;
	s5 =	sadd.s32 s22, s3  }
0x15: {  	[timem:s7], [sflag:s23] =	dma.local [hbm:s5], s21  }
0x16: {  	_ =	swait.ge [sflag:s23], s21  }
0x17: {  	s4 =	ssub.s32 $0x0, s21;
	[sflag:s23] =	ssyncset.done $0x0  }
0x18: {  	[sflag:s23] =	ssyncadd.s32 s4;
	_ =	sdelay $0x1  }
0x19: {  	s24 =	simm.s32 $0x1B8B  }
0x1a: {  	_ =	swait.ge [sflag:s24], $0x1  }
0x1b: {  	[sflag:s24] =	ssyncset.done $0x0  }
0x1c: {  	s26 =	simm.s32 $0x1B8E;
	s25 =	sld [smem:$0x3FFE];
	[sflag:s24] =	ssyncadd.s32 $0xFFFFFFFF  }
0x1d: {  	s27 =	simm.s32 $execute0_lowered;
	[smem:$0x3FD2] =	sst s26  }
0x1e: {  	s5 =	sshll.u32 s27, $0x1;
	_ =	strace $0x80000049;
	[dreg:$0x1] =	wrdreg $0xFFFFFFFF  }
0x1f: {  	s28 =	simm.s32 $_size_execute0_lowered;
	s3 =	sadd.s32 s3, s5;
	[dreg:$0x0] =	wrdreg $0x0  }
0x20: {  	s5 =	sshll.u32 s28, $0x1;
	[dreg:$0x2] =	wrdreg s3  }
0x21: {  	[dreg:$0x3] =	wrdreg s5  }
0x22: {  	[dreg:$0x4] =	wrdreg $0xC0  }
0x23: {  	_ =	task [dreg:s7], $0x5FFFF  }
0x24: {  	[dreg:$0x1] =	wrdreg $0xFFFFFFFF  }
0x25: {  	[dreg:$0x0] =	wrdreg $0x60  }
0x26: {  	[dreg:$0x2] =	wrdreg s25  }
0x27: {  	[dreg:$0x3] =	wrdreg s2  }
0x28: {  	[dreg:$0x4] =	wrdreg $0x9  }
0x29: {  	_ =	task.clear_ibuf [dreg:s7], $0x5FFFF;
	_ =	strace $0x90000049  }
0x2a: {  	s29 =	simm.s32 $0x9;
	_ =	strace $0x8000004B  }
0x2b: {  	_ =	swait.ge [sflag:s29], $0x1  }
0x2c: {  	[sflag:s29] =	ssyncadd.s32 $0xFFFFFFFF  }
0x2d: {  	_ =	strace $0x9000004B  }
0x2e: {  	_ =	sfence  }
0x2f: {  	s30 =	sld [smem:$0x0];
	_ =	sdelay $0x2  }
0x30: {  	s31 =	sshll.u32 s1, $0xD;
	s1 =	sshrl.u32 s1, $0x2  }
0x31: {  	s3 =	sand.u32 $0x4000, s31;
	s1 =	sadd.s32 s1, s30  }
0x32: {  	s0 =	sor.u32 s3, s0;
	s1 =	sshll.u32 s1, $0x11  }
0x33: {  	s0 =	sor.u32 s1, s0  }
0x34: {  	s0 =	sadd.s32 $0x8F2B, s0  }
0x35: {  	[sflag:s0] =	ssyncadd.remote.s32 $0x1  }
0x36: {  	_ =	sfence.sel $0xFFFF  }
0x37: {  	[dreg:$0x0] =	wrdreg $0xFFFFFFFF;
	(pc) =	sbr.abs _section_cstart, $3  }
0x38: {  	[dreg:$0x1] =	wrdreg $0xFFFFFFFF  }
0x39: {  	_ =	task.clear_ibuf [dreg:s7], $0x2FFFF;
	_ =	strace $0x9FFFFFFF  }
0x3a: {  	(tm) =	ssettm $0x7FFFFFFF  }
0x3b: {  	_ =	shalt  }
tec
execute0_lowered:
.L_overlay_start_1:
0x0: {  	(tag) =	ssettag $0x1  }
0x1: {  	s0 =	srdreg.scid  }
0x2: {  	s1 =	sshll.u32 s0, $0x4  }
0x3: {  	s6 =	rddreg [dreg:$0x0];
	s0 =	stileid.u32;
	s1 =	sand.u32 $0x10, s1  }
0x4: {  	s3 =	rddreg [dreg:$0x1];
	s1 =	sor.u32 s0, s1  }
0x5: {  	s5 =	simm.s32 $0x1;
	s31 =	simm.s32 $0x2;
	s2 =	sshll.u32 s1, $0x7  }
0x6: {  	s15 =	simm.s32 $0x0;
	s8 =	simm.s32 $0x271000;
	s4 =	ssub.s32 $0x4E200, s2  }
0x7: {  	s14 =	simm.s32 $0x0;
	s9 =	simm.s32 $0x0;
	s30 =	sand.u32 $0xF80, s4  }
0x8: {  	s10 =	simm.s32 $0x0;
	s11 =	simm.s32 $0x0;
	p0 =	sne.s32 s30, $0x0  }
.Ltmp0:
0x9: {  	s7 =	sshrl.u32 s4, $0xC;
	s5 =	simm.s32 @!p0 $0x0;
	(pc) =	sbr.rel .LBB1_1-.Ltmp0, $4  }
0xa: {  	s13 =	simm.s32 $0x0;
	s1 =	rddreg [dreg:$0x2];
	s5 =	sadd.s32 s5, s7  }
0xb: {  	_ =	strace $0x8000004A;
	s4 =	simm.s32 $0x1;
	s5 =	smul.u32 $0x3, s5  }
0xc: {  	s6 =	sadd.s32 $0x27C00, s6;
	s12 =	smov.u32 s2;
	[sflag:s4] =	ssyncpa.u1 $0x0  }
0xd: {  	[sflag:s31] =	ssyncpa.u1 $0x0;
	p0 =	por $0x0, $0x0;
	s7 =	sadd.s32 $0x1, s5  }
.LBB1_4:
0xe: {  	s21 =	sshrl.u32 s9, $0x3;
	s22 =	sshll.u32 s10, $0x3  }
0xf: {  	s23 =	sshll.u32 s9, $0x7;
	s20 =	sshra.s32 s20, $0x2;
	s21 =	smul.u32 $0x271000, s21  }
0x10: {  	s28 =	sand.u32 $0x7F, s10;
	p1 =	sgt.s32 s9, $0xA0;
	s22 =	sand.u32 $0xFFFFFC00, s22  }
0x11: {  	s29 =	sshra.s32 s9, $0x1F;
	s27 =	sand.u32 $0x380, s23;
	s21 =	sadd.s32 s22, s21  }
0x12: {  	s24 =	sshra.s32 s10, $0x1F;
	s19 =	sadd.s32 s20, s19;
	s21 =	sor.u32 s27, s21  }
0x13: {  	v5 =	vld [tilespmem:s17+$0xFFFFFFD0];
	s22 =	smulhi.u32 $0xD1B71759, s21;
	s20 =	sor.u32 s28, s21;
	s21 =	smov.u32 s9  }
0x14: {  	[tilespmem:s18+$0x2040 ss:$0x81] =	vst.msk $0xffff, v4;
	v58 =	vld [tilespmem:s17+$0xFFFFFFE0];
	s23 =	sand.u32 s29, s9;
	s24 =	sand.u32 s24, s10;
	s21 =	simm.s32 @!p1 $0xA0  }
0x15: {  	[tilespmem:s18+$0x2850 ss:$0x81] =	vst.msk $0xffff, v3;
	p1 =	sgt.s32 s10, $0x4E180;
	s30 =	smulhi.u32 $0xD1B71759, s20;
	s22 =	sshrl.u32 s22, $0x12  }
0x16: {  	v59 =	vld [tilespmem:s17+$0xFFFFFFF0];
	[tilespmem:s18+$0x3060 ss:$0x81] =	vst.msk $0xffff, v2;
	s21 =	ssub.s32 s21, s23;
	s23 =	smov.u32 s10;
	s25 =	smul.u32 $0xE39, s22  }
0x17: {  	v60 =	vld [tilespmem:s17+$0x0];
	[tilespmem:s18+$0x0 ss:$0x81] =	vst.msk $0xffff, v0;
	s23 =	simm.s32 @!p1 $0x4E180;
	s31 =	sadd.s32 $0xFFFFFF60, s21;
	s18 =	sshrl.u32 s30, $0x12  }
0x18: {  	v61 =	vld [tilespmem:s17+$0x10];
	[tilespmem:s19+$0x3870 ss:$0x81] =	vst.msk $0xffff, v1;
	s23 =	ssub.s32 s23, s24;
	s28 =	smul.u32 $0x4E200, s18;
	s25 =	sshrl.u32 s25, $0x14  }
0x19: {  	v62 =	vld [tilespmem:s17+$0x20];
	[tilespmem:s19+$0x810 ss:$0x81] =	vst.msk $0xffff, v5;
	p1 =	sgt.s32 s31, $0x7F;
	s26 =	sadd.s32 $0xFFFB1E80, s23;
	s27 =	smul.u32 $0x120, s25  }
0x1a: {  	v63 =	vld [tilespmem:s17+$0xFFFFFFC0];
	[tilespmem:s19+$0x1020 ss:$0x81] =	vst.msk $0xffff, v58;
	s18 =	ssub.s32 $0x120, s21;
	s21 =	ssub.s32 $0x4E200, s23;
	p2 =	sgt.s32 s26, $0x7F  }
0x1b: {  	[tilespmem:s19+$0x1830 ss:$0x81] =	vst.msk $0xffff, v59;
	s18 =	simm.s32 @p1 $0x0;
	s21 =	simm.s32 @p2 $0x0;
	s22 =	ssub.s32 s22, s27  }
0x1c: {  	[tilespmem:s19+$0x2040 ss:$0x81] =	vst.msk $0xffff, v60;
	s17 =	ssub.s32 s20, s28;
	s18 =	smul.u32 s21, s18;
	s29 =	sand.u32 $0xFFFF, s22  }
0x1d: {  	[tilespmem:s19+$0x2850 ss:$0x81] =	vst.msk $0xffff, v61;
	s30 =	sshrl.u32 s17, $0x3;
	s17 =	sand.u32 $0x7, s17;
	s20 =	smul.u32 $0x9C40, s29  }
0x1e: {  	[tilespmem:s19+$0x3060 ss:$0x81] =	vst.msk $0xffff, v62;
	s21 =	sadd.s32 s3, s30;
	s17 =	sshll.u32 s17, $0x12  }
0x1f: {  	[tilespmem:s19+$0x0 ss:$0x81] =	vst.msk $0xffff, v63;
	s17 =	sor.u32 $0x400, s17;
	s18 =	sand.u32 $0x3FFFFFFF, s18;
	s31 =	sadd.s32 s20, s21  }
0x20: {  	[hbm4b:s31+s17] =	stream.strided.scatter [tilespmem:s16], [sflag:$0x2], s18, s8, s17, $0x20;
	[tilespmem:$0x10100] =	vst v63  }
.LBB1_5:
0x21: {  	p1 =	slt.u32 s13, $0x2  }
0x22: {  	s17 =	smov.u32 s15;
	p2 =	sgt.s32 @!p1 s15, $0xA0;
	s16 =	sshra.s32 @!p1 s15, $0x1F  }
0x23: {  	p3 =	sgt.s32 @!p1 s14, $0x4E180;
	s18 =	sshra.s32 @!p1 s14, $0x1F;
	p2 =	por !p2, p1  }
0x24: {  	s15 =	sand.u32 @!p1 s16, s15;
	p3 =	por !p3, p1;
	s16 =	smov.u32 s14  }
0x25: {  	s14 =	sand.u32 @!p1 s18, s14;
	s17 =	simm.s32 @p2 $0xA0;
	s16 =	simm.s32 @p3 $0x4E180  }
0x26: {  	s15 =	ssub.s32 @!p1 s17, s15;
	s14 =	ssub.s32 @!p1 s16, s14  }
0x27: {  	s18 =	smov.u32 s12;
	s16 =	sadd.s32 @!p1 $0xFFFFFF60, s15;
	s17 =	sadd.s32 @!p1 $0xFFFB1E80, s14  }
0x28: {  	s15 =	ssub.s32 @!p1 $0x120, s15;
	p2 =	sgt.s32 @!p1 s16, $0x7F;
	p3 =	sgt.s32 @!p1 s17, $0x7F  }
0x29: {  	s14 =	ssub.s32 @!p1 $0x4E200, s14;
	p2 =	por !p2, p1;
	p3 =	por !p3, p1  }
0x2a: {  	s16 =	sadd.s32 $0x80, s11;
	s15 =	simm.s32 @!p2 $0x0;
	s14 =	simm.s32 @!p3 $0x0  }
0x2b: {  	p2 =	sgt.s32 s16, $0x11F;
	s14 =	smul.u32 @!p1 s14, s15;
	s15 =	sadd.s32 $0x1000, s12  }
0x2c: {  	s18 =	smov.u32 @p2 s15  }
0x2d: {  	s16 =	simm.s32 @p2 $0x0;
	p2 =	sgt.s32 s18, $0x4E1FF  }
0x2e: {  	s18 =	smov.u32 @p2 s2;
	p2 =	sne.s32 s13, s7  }
.Ltmp1:
0x2f: {  	p0 =	por !p0, !p0;
	s17 =	simm.s32 @!p1 $0x2;
	(pc) =	sbr.rel @!p2 .LBB1_6-.Ltmp1, $4  }
0x30: {  	s15 =	smov.u32 s9;
	s9 =	smov.u32 s11;
	s14 =	sand.u32 @!p1 $0x3FFFFFFF, s14  }
0x31: {  	s11 =	smov.u32 s16;
	_ =	swait.ge @!p1 [sflag:s17], s14;
	s19 =	ssub.s32 @!p1 $0x0, s14  }
0x32: {  	s14 =	smov.u32 s10;
	s13 =	sadd.s32 $0x1, s13;
	[sflag:s17] =	ssyncset.done @!p1 $0x0  }
0x33: {  	s10 =	smov.u32 s12;
	s12 =	smov.u32 s18;
	[sflag:s17] =	ssyncadd.s32 @!p1 s19  }
.LBB1_1:
0x34: {  	p1 =	sge.u32 s13, s5  }
0x35: {  	s16 =	sshrl.u32 @!p1 s12, $0x3  }
0x36: {  	s17 =	sshll.u32 @!p1 s11, $0x3;
	s16 =	smul.u32 @!p1 $0xC00, s16  }
0x37: {  	s18 =	sshll.u32 @!p1 s12, $0x7;
	s17 =	sand.u32 @!p1 $0xFFFFFC00, s17  }
0x38: {  	s16 =	sadd.s32 @!p1 s16, s17;
	s17 =	sand.u32 @!p1 $0x380, s18  }
0x39: {  	s16 =	sor.u32 @!p1 s17, s16  }
0x3a: {  	s17 =	sand.u32 @!p1 $0x7F, s11;
	s18 =	smulhi.u32 @!p1 $0xAAAAAAAB, s16  }
0x3b: {  	s16 =	sor.u32 @!p1 s17, s16  }
0x3c: {  	s17 =	smulhi.u32 @!p1 $0xAAAAAAAB, s16;
	s18 =	sshrl.u32 @!p1 s18, $0x8  }
0x3d: {  	s19 =	smulhi.u32 @!p1 $0x1A36E3, s18  }
0x3e: {  	s17 =	sshrl.u32 @!p1 s17, $0x8  }
0x3f: {  	s17 =	smul.u32 @!p1 $0x180, s17;
	s19 =	sshrl.u32 @!p1 s19, $0x7  }
0x40: {  	s19 =	smul.u32 @!p1 $0x4E200, s19  }
0x41: {  	s31 =	sadd.s32 $0xFFFFFFFF, s13;
	s20 =	sxor.u32 @!p1 $0xFFFFFFFF, s13  }
0x42: {  	s16 =	ssub.s32 @!p1 s16, s17;
	s17 =	sshll.u32 @!p1 s20, $0xE;
	s18 =	ssub.s32 @!p1 s18, s19  }
0x43: {  	s19 =	sshrl.u32 @!p1 s16, $0x3;
	s16 =	sand.u32 @!p1 $0x7, s16;
	s18 =	smul.u32 @!p1 $0x30, s18  }
0x44: {  	s17 =	sand.u32 @!p1 $0x4000, s17;
	s19 =	sadd.s32 @!p1 s6, s19;
	s16 =	sshll.u32 @!p1 s16, $0x12  }
0x45: {  	s16 =	sor.u32 @!p1 $0x400, s16;
	s18 =	sadd.s32 @!p1 s18, s19;
	s19 =	simm.s32 @!p1 $0xC00  }
0x46: {  	[tilespmem:s17], [sflag:$0x1] =	stream.strided.gather @!p1 [hbm4b:s18+s16], $0x4000, s19, s16, $0x38;
	[tilespmem:$0x10100] =	vst v63  }
0x47: {  	p1 =	sge.u32 s31, s5  }
.Ltmp2:
0x48: {  	_ = 	snop;
	(pc) =	sbr.rel @p1 .LBB1_5-.Ltmp2, $1  }
0x49: {  	_ =	sdelay $0x3  }
0x4a: {  	s16 =	simm.s32 $0x1  }
0x4b: {  	_ =	swait.ge [sflag:s4], $0x4000;
	s16 =	simm.s32 @!p0 $0x0  }
0x4c: {  	[sflag:s4] =	ssyncset.done $0x0;
	s17 =	sshll.u32 s16, $0xE  }
0x4d: {  	[sflag:s4] =	ssyncadd.s32 $0xFFFFC000;
	s17 =	sor.u32 $0x40, s17  }
0x4e: {  	s16 =	smul.u32 $0x10200, s16;
	v0 =	vld [tilespmem:s17+$0x30]  }
0x4f: {  	v1 =	vld [tilespmem:s17+$0xFFFFFFD0]  }
0x50: {  	s16 =	sshrl.u32 s16, $0x2;
	v5 =	vld [tilespmem:s17+$0xFFFFFFE0]  }
0x51: {  	v6 =	vld [tilespmem:s17+$0xFFFFFFF0];
	s19 =	sor.u32 $0x8000, s16  }
0x52: {  	s31 =	sand.u32 $0x1, s13;
	v4 =	vld [tilespmem:s17+$0x0];
	s18 =	sadd.s32 $0x0, s19  }
0x53: {  	v3 =	vld [tilespmem:s17+$0x10];
	s16 =	smul.u32 $0x10200, s31;
	[tilespmem:s18+$0x3870 ss:$0x81] =	vst.msk $0xffff, v0  }
0x54: {  	v2 =	vld [tilespmem:s17+$0x20];
	[tilespmem:s18+$0x810 ss:$0x81] =	vst.msk $0xffff, v1  }
0x55: {  	s16 =	sshrl.u32 s16, $0x2;
	v0 =	vld [tilespmem:s17+$0xFFFFFFC0];
	[tilespmem:s18+$0x1020 ss:$0x81] =	vst.msk $0xffff, v5;
	s17 =	sadd.s32 $0x80, s17  }
0x56: {  	s20 =	simm.s32 $0x4;
	s21 =	simm.s32 $0x8;
	s16 =	sor.u32 $0x8000, s16;
	[tilespmem:s18+$0x1830 ss:$0x81] =	vst.msk $0xffff, v6;
	v1 =	vld [tilespmem:s17+$0x30]  }
.LBB1_3:
0x57: {  	p1 =	sne.s32 s21, $0x1FC;
	v5 =	vld [tilespmem:s17+$0xFFFFFFD0];
	[tilespmem:s18+$0x2040 ss:$0x81] =	vst.msk $0xffff, v4  }
0x58: {  	v6 =	vld [tilespmem:s17+$0xFFFFFFE0];
	[tilespmem:s18+$0x2850 ss:$0x81] =	vst.msk $0xffff, v3  }
0x59: {  	s22 =	sshra.s32 s20, $0x2;
	s20 =	smov.u32 s21;
	v7 =	vld [tilespmem:s17+$0xFFFFFFF0];
	[tilespmem:s18+$0x3060 ss:$0x81] =	vst.msk $0xffff, v2  }
.Ltmp3:
0x5a: {  	v4 =	vld [tilespmem:s17+$0x0];
	[tilespmem:s18+$0x0 ss:$0x81] =	vst.msk $0xffff, v0;
	s18 =	sadd.s32 s22, s19;
	(pc) =	sbr.rel @p1 .LBB1_3-.Ltmp3, $4  }
0x5b: {  	v3 =	vld [tilespmem:s17+$0x10];
	[tilespmem:s18+$0x3870 ss:$0x81] =	vst.msk $0xffff, v1  }
0x5c: {  	[tilespmem:s18+$0x810 ss:$0x81] =	vst.msk $0xffff, v5;
	v2 =	vld [tilespmem:s17+$0x20]  }
0x5d: {  	v0 =	vld [tilespmem:s17+$0xFFFFFFC0];
	[tilespmem:s18+$0x1020 ss:$0x81] =	vst.msk $0xffff, v6;
	s17 =	sadd.s32 $0x80, s17  }
0x5e: {  	s21 =	sadd.s32 $0x4, s21;
	v1 =	vld [tilespmem:s17+$0x30];
	[tilespmem:s18+$0x1830 ss:$0x81] =	vst.msk $0xffff, v7  }
.Ltmp4:
0x5f: {  	_ = 	snop;
	(pc) =	sbr.rel .LBB1_4-.Ltmp4, $1  }
0x60: {  	_ =	sdelay $0x3  }
.LBB1_6:
0x61: {  	_ =	sfence.sel $0x180000  }
0x62: {  	s2 =	simm.s32 $0x1;
	[bflag:$0x0] =	sbarrier.arrive $0xFFFF  }
0x63: {  	s31 =	simm.s32 $0x2;
	[sflag:s2] =	ssyncpa.u1 $0x1  }
0x64: {  	[sflag:s31] =	ssyncpa.u1 $0x1  }
0x65: {  	p0 =	sne.s32 s0, $0x0;
	_ =	strace $0x9000004A  }
0x66: {  	s0 =	sadd.s32 @!p0 $0x100000, s1;
	[bflag:$0x2] =	sbarrier.arrive $0xFFFF  }
0x67: {  	[sflag:s0] =	ssyncadd.tile.s32 @!p0 $0x1;
	_ =	shalt  }
.Lfunc_end1:
_tile_overlayer_lowered:
.L_overlay_start_2:
0x68: {  	(tag) =	ssettag $0x2  }
0x69: {  	s0 =	rddreg [dreg:$0x0];
	s2 =	stileid.u32  }
0x6a: {  	s1 =	rddreg [dreg:$0x1];
	p0 =	sne.s32 s2, $0x0  }
0x6b: {  	s3 =	rddreg [dreg:$0x2];
	[bflag:$0x3] =	sbarrier.arrive $0xFFFF;
	s2 =	simm.s32 @!p0 $0x1C01  }
0x6c: {  	[timem:s3], [sflag:s2] =	dma.local @!p0 [hbm:s0], s1  }
0x6d: {  	s0 =	simm.s32 @!p0 $0x1  }
0x6e: {  	_ =	swait.ge @!p0 [sflag:s0], s1  }
0x6f: {  	s1 =	ssub.s32 @!p0 $0x0, s1;
	[sflag:s0] =	ssyncset.done @!p0 $0x0  }
0x70: {  	[sflag:s0] =	ssyncadd.s32 @!p0 s1  }
0x71: {  	[bflag:$0x3] =	sbarrier.arrive $0xFFFF  }
0x72: {  	_ =	shalt  }

</sc_bundles>
